<compile_context>
chip_gen: v7x
topology: tpu7x:2x2x1
jax: 0.10.2.dev20260603
libtpu: 0.0.44.dev20260713+nightly
codegen_flags: <defaults>
</compile_context>

<pallas_src>
import functools

import jax
import jax.numpy as jnp
import numpy as np
from jax import lax
from jax.experimental import pallas as pl
from jax.experimental.pallas import tpu as pltpu
from jax.experimental.pallas import tpu_sc as plsc

N_ATOMS = 100000
N_EDGES = 1600000
N_FEAT = 128
K_RBF = 32
RC = 8.0

NC = 2
NS = 16
NW = NC * NS

NA_PAD = 102400
AB = 1024
AB_ROWS = AB // 128
ABH = AB // 2
A_BLKS = NA_PAD // AB
A_ITERS = -(-A_BLKS // NW)

NE_PAD = 1638400
EB = 3200
E_BLKS = NE_PAD // EB
E_ITERS = E_BLKS // NW

_mesh = plsc.VectorSubcoreMesh(core_axis_name="c", subcore_axis_name="s")


@functools.partial(
    pl.kernel,
    mesh=_mesh,
    compiler_params=pltpu.CompilerParams(needs_layout_passes=False),
    out_type=jax.ShapeDtypeStruct((NA_PAD, N_FEAT), jnp.float32),
    scratch_types=[
        pltpu.SemaphoreType.DMA,
    ],
)
def _sc_feats(feat_hbm, an_hbm, featout_hbm, sem):
    wid = lax.axis_index("s") * NC + lax.axis_index("c")

    def atom_phase(aidx_v, arows_v):
        def atom_block(n, carry):
            t = n * NW + wid

            @pl.when(t < A_BLKS)
            def _():
                pltpu.sync_copy(an_hbm.at[t], aidx_v)
                for h in range(2):
                    handles = [
                        pltpu.async_copy(
                            feat_hbm.at[aidx_v.at[h * 4 + j]],
                            arows_v.at[pl.ds(j * 128, 128)], sem)
                        for j in range(4)
                    ]
                    for hd in handles:
                        hd.wait()
                    pltpu.sync_copy(
                        arows_v,
                        featout_hbm.at[pl.ds(t * AB + h * ABH, ABH)])

            return carry

        lax.fori_loop(0, A_ITERS, atom_block, 0)

    pl.run_scoped(atom_phase,
                  pltpu.VMEM((AB_ROWS, 128), jnp.int32),
                  pltpu.VMEM((ABH, N_FEAT), jnp.float32))


@functools.partial(
    pl.kernel,
    mesh=_mesh,
    compiler_params=pltpu.CompilerParams(needs_layout_passes=False),
    out_type=jax.ShapeDtypeStruct((NE_PAD,), jnp.float32),
    scratch_types=[
        pltpu.SemaphoreType.DMA,
    ],
)
def _sc_edges(px_hbm, py_hbm, pz_hbm, ii_hbm, jj_hbm, d2_hbm, sem):
    wid = lax.axis_index("s") * NC + lax.axis_index("c")

    def edge_phase(ptab_v, iidx_v, jidx_v, d2_v):
        for c, ptab_hbm in enumerate((px_hbm, py_hbm, pz_hbm)):
            pltpu.sync_copy(ptab_hbm, ptab_v)

            def edge_block(n, carry):
                t = n * NW + wid
                base = t * EB
                handles = [
                    pltpu.async_copy(ii_hbm.at[pl.ds(base, EB)], iidx_v, sem),
                    pltpu.async_copy(jj_hbm.at[pl.ds(base, EB)], jidx_v, sem),
                ]
                if c > 0:
                    handles.append(pltpu.async_copy(
                        d2_hbm.at[pl.ds(base, EB)], d2_v, sem))
                for hd in handles:
                    hd.wait()

                @plsc.parallel_loop(0, EB, 16, unroll=8)
                def grp(i):
                    sl = pl.ds(i, 16)
                    xi = plsc.load_gather(ptab_v, [iidx_v[sl]])
                    xj = plsc.load_gather(ptab_v, [jidx_v[sl]])
                    dx = xj - xi
                    if c > 0:
                        d2_v[sl] = d2_v[sl] + dx * dx
                    else:
                        d2_v[sl] = dx * dx

                pltpu.sync_copy(d2_v, d2_hbm.at[pl.ds(base, EB)])
                return carry

            lax.fori_loop(0, E_ITERS, edge_block, 0)

    pl.run_scoped(edge_phase,
                  pltpu.VMEM((N_ATOMS,), jnp.float32),
                  pltpu.VMEM((EB,), jnp.int32),
                  pltpu.VMEM((EB,), jnp.int32),
                  pltpu.VMEM((EB,), jnp.float32))


_BE = 12800
_GE = N_EDGES // _BE
_WIDTH = float(((2.0 / K_RBF) * (np.exp(-0.0) - np.exp(-RC))) ** (-2))


def _rbf_body(d2_ref, cen_ref, dist_ref, rbf_ref):
    d2 = d2_ref[...]
    d = jnp.sqrt(d2 + 1e-12)
    dist_ref[...] = d
    x = d * (1.0 / RC)
    x2 = x * x
    x3 = x2 * x
    x4 = x2 * x2
    x5 = x4 * x
    fc = 1.0 - 6.0 * x5 + 15.0 * x4 - 10.0 * x3
    fc = jnp.where(d < RC, fc, 0.0)
    t = jnp.exp(-d)
    th = t.astype(jnp.bfloat16).astype(jnp.float32)
    tl = t - th
    ones = jnp.ones((1, K_RBF), jnp.float32)
    dims = (((0,), (0,)), ((), ()))
    tb = (lax.dot_general(th, ones, dims, preferred_element_type=jnp.float32)
          + lax.dot_general(tl, ones, dims, preferred_element_type=jnp.float32))
    fb = lax.dot_general(fc, ones, dims, preferred_element_type=jnp.float32)
    diff = tb - cen_ref[...]
    rbf_ref[...] = fb * jnp.exp((-_WIDTH) * (diff * diff))


_rbf_call = pl.pallas_call(
    _rbf_body,
    grid=(_GE,),
    in_specs=[
        pl.BlockSpec((1, _BE), lambda i: (0, i)),
        pl.BlockSpec((1, K_RBF), lambda i: (0, 0)),
    ],
    out_specs=[
        pl.BlockSpec((1, _BE), lambda i: (0, i)),
        pl.BlockSpec((_BE, K_RBF), lambda i: (i, 0)),
    ],
    out_shape=[
        jax.ShapeDtypeStruct((1, N_EDGES), jnp.float32),
        jax.ShapeDtypeStruct((N_EDGES, K_RBF), jnp.float32),
    ],
)


def kernel(atomic_numbers, positions, idx_i, idx_j, atom_features):
    an = jnp.pad(atomic_numbers.astype(jnp.int32),
                 (0, NA_PAD - N_ATOMS)).reshape(A_BLKS, AB_ROWS, 128)
    ii = jnp.pad(idx_i.astype(jnp.int32), (0, NE_PAD - N_EDGES))
    jj = jnp.pad(idx_j.astype(jnp.int32), (0, NE_PAD - N_EDGES))
    pos = positions.astype(jnp.float32)
    px, py, pz = pos[:, 0], pos[:, 1], pos[:, 2]
    feat = atom_features.astype(jnp.float32)

    d2_p = _sc_edges(px, py, pz, ii, jj)
    feats_p = _sc_feats(feat, an)
    features = feats_p[:N_ATOMS]

    d2 = d2_p[:N_EDGES].reshape(1, N_EDGES)
    centers = jnp.asarray(
        np.linspace(np.exp(-0.0), np.exp(-RC), K_RBF),
        jnp.float32).reshape(1, K_RBF)
    dist2d, rbfs = _rbf_call(d2, centers)
    distances = dist2d.reshape(-1)
    return features, rbfs, distances

# --- scband reference (transcript-rebuilt; emitter-appended) ---
"""Pipeline reference for scband-input-phys-net-rbf-49091476194042 (READ-ONLY COPY).

The authoritative reference and input builder live on the scoring server;
editing this copy changes nothing except your own understanding.
"""

import jax, jax.numpy as jnp
import numpy as np

N_ATOMS = 100000
N_EDGES = 1600000
N_ATOMBASIS = 128
N_RADIALBASIS = 32
N_MAXATOM = 94
CUTOFF = 8.0
CENTER_START = 0.0
CENTER_END = 8.0
FEAT_RANGE = 1.7320508


def _cutoff_poly6(d, rc):
    x = d / rc
    fc = 1.0 - 6.0 * x**5 + 15.0 * x**4 - 10.0 * x**3
    return jnp.where(d < rc, fc, 0.0)


def _physnet_rbf(d, K, rc, c0, c1):
    # PhysNet exponential Bernstein-style Gaussian RBF in exp(-r) space
    centers = jnp.linspace(np.exp(-c0), np.exp(-c1), K).astype(jnp.float32)
    width = ((2.0 / K) * (np.exp(-c0) - np.exp(-c1))) ** (-2)
    fc = _cutoff_poly6(d, rc)
    g = jnp.exp(-width * (jnp.exp(-d)[:, None] - centers[None, :]) ** 2)
    return fc[:, None] * g


def setup_inputs(seed: int = 0) -> dict:
    key = jax.random.key(seed)
    k1, k2, k3, k4, k5 = jax.random.split(key, 5)
    atomic_numbers = jax.random.randint(k1, (N_ATOMS,), 0, N_MAXATOM + 1)
    positions = jax.random.normal(k2, (N_ATOMS, 3), dtype=jnp.float32)
    idx_i = jax.random.randint(k3, (N_EDGES,), 0, N_ATOMS)
    idx_j = jax.random.randint(k4, (N_EDGES,), 0, N_ATOMS)
    atom_features = jax.random.uniform(
        k5, (N_MAXATOM + 1, N_ATOMBASIS), dtype=jnp.float32,
        minval=-FEAT_RANGE, maxval=FEAT_RANGE)
    return {
        "atomic_numbers": atomic_numbers,
        "positions": positions,
        "idx_i": idx_i,
        "idx_j": idx_j,
        "atom_features": atom_features,
    }


def reference(atomic_numbers, positions, idx_i, idx_j, atom_features):
    # embedding lookup: per-atom feature vectors from the learned atom library
    features = jnp.take(atom_features, atomic_numbers, axis=0)
    # pairwise distances from gathered positions (pbc_offset is None)
    vec = jnp.take(positions, idx_j, axis=0) - jnp.take(positions, idx_i, axis=0)
    distances = jnp.sqrt(jnp.sum(vec * vec, axis=-1) + 1e-12)
    # radial basis expansion with smooth cutoff
    rbfs = _physnet_rbf(distances, N_RADIALBASIS, CUTOFF, CENTER_START, CENTER_END)
    return (features, rbfs, distances)

if __name__ == "__main__":
    import jax
    _d = setup_inputs()
    print(jax.jit(kernel)(*tuple(_d.values())))

</pallas_src>

<mosaic_0001>
#map = affine_map<(d0, d1) -> (0)>
module attributes {stable_mosaic.version = 14 : i64} {
  func.func @_sc_edges(%arg0: i32, %arg1: i32, %arg2: memref<100000xf32, #tpu.memory_space<hbm>>, %arg3: memref<100000xf32, #tpu.memory_space<hbm>>, %arg4: memref<100000xf32, #tpu.memory_space<hbm>>, %arg5: memref<1638400xi32, #tpu.memory_space<hbm>>, %arg6: memref<1638400xi32, #tpu.memory_space<hbm>>, %arg7: memref<1638400xf32, #tpu.memory_space<hbm>>, %arg8: memref<!tpu.dma_semaphore, #tpu.memory_space<semaphore_mem>>) attributes {dimension_semantics = [#tpu.dimension_semantics<core_parallel>, #tpu.dimension_semantics<subcore_parallel>], iteration_bounds = array<i64: 2, 16>, scalar_prefetch = 0 : i64, scratch_operands = 1 : i64, tpu.core_type = #tpu.core_type<sc_vector_subcore>, window_params = [{transform_indices = #map}, {transform_indices = #map}, {transform_indices = #map}, {transform_indices = #map}, {transform_indices = #map}, {transform_indices = #map}]} {
    %mul3A = arith.constant 2 : i32
    %mul3A_0 = arith.muli %arg1, %mul3A : i32
    %add3A = arith.addi %mul3A_0, %arg0 : i32
    "tpu.region"() ({
      %run_scoped3A = memref.alloca() : memref<100000xf32, #tpu.memory_space<vmem>>
      %run_scoped3A_1 = memref.alloca() : memref<3200xi32, #tpu.memory_space<vmem>>
      %run_scoped3A_2 = memref.alloca() : memref<3200xi32, #tpu.memory_space<vmem>>
      %run_scoped3A_3 = memref.alloca() : memref<3200xf32, #tpu.memory_space<vmem>>
      "tpu.region"() ({
        %run_scoped3A_21 = tpu.sem_alloc : memref<!tpu.dma_semaphore, #tpu.memory_space<semaphore_mem>>
        tpu.enqueue_dma source(%arg2 : memref<100000xf32, #tpu.memory_space<hbm>>) target(%run_scoped3A : memref<100000xf32, #tpu.memory_space<vmem>>) target_semaphore(%run_scoped3A_21 : memref<!tpu.dma_semaphore, #tpu.memory_space<semaphore_mem>>)
        tpu.wait_dma2 semaphore(%run_scoped3A_21 : memref<!tpu.dma_semaphore, #tpu.memory_space<semaphore_mem>>) src(%arg2 : memref<100000xf32, #tpu.memory_space<hbm>>) dst(%run_scoped3A : memref<100000xf32, #tpu.memory_space<vmem>>)
        tpu.yield
      }) : () -> ()
      %scan3A = arith.constant 0 : i32
      %scan3A_4 = arith.constant 0 : i32
      %scan3A_5 = arith.constant 16 : i32
      %scan3A_6 = arith.addi %scan3A_4, %scan3A_5 : i32
      %scan3A_7 = arith.constant 1 : i32
      scf.for %scan3A_21 = %scan3A_4 to %scan3A_6 step %scan3A_7  : i32 {
        %mul3A_22 = arith.constant 32 : i32
        %mul3A_23 = arith.muli %scan3A_21, %mul3A_22 : i32
        %add3A_24 = arith.addi %mul3A_23, %add3A : i32
        %mul3A_25 = arith.constant 3200 : i32
        %mul3A_26 = arith.muli %add3A_24, %mul3A_25 : i32
        %dma_start3A = tpu.memref_slice %arg5[%mul3A_26] : memref<1638400xi32, #tpu.memory_space<hbm>> -> memref<3200xi32, #tpu.memory_space<hbm>>
        %dma_start3A_27 = tpu.memref_slice %arg5[%mul3A_26] : memref<1638400xi32, #tpu.memory_space<hbm>> -> memref<3200xi32, #tpu.memory_space<hbm>>
        tpu.enqueue_dma source(%dma_start3A_27 : memref<3200xi32, #tpu.memory_space<hbm>>) target(%run_scoped3A_1 : memref<3200xi32, #tpu.memory_space<vmem>>) target_semaphore(%arg8 : memref<!tpu.dma_semaphore, #tpu.memory_space<semaphore_mem>>)
        %dma_start3A_28 = tpu.memref_slice %arg6[%mul3A_26] : memref<1638400xi32, #tpu.memory_space<hbm>> -> memref<3200xi32, #tpu.memory_space<hbm>>
        %dma_start3A_29 = tpu.memref_slice %arg6[%mul3A_26] : memref<1638400xi32, #tpu.memory_space<hbm>> -> memref<3200xi32, #tpu.memory_space<hbm>>
        tpu.enqueue_dma source(%dma_start3A_29 : memref<3200xi32, #tpu.memory_space<hbm>>) target(%run_scoped3A_2 : memref<3200xi32, #tpu.memory_space<vmem>>) target_semaphore(%arg8 : memref<!tpu.dma_semaphore, #tpu.memory_space<semaphore_mem>>)
        %dma_wait3A = tpu.memref_slice %arg5[%mul3A_26] : memref<1638400xi32, #tpu.memory_space<hbm>> -> memref<3200xi32, #tpu.memory_space<hbm>>
        %dma_wait3A_30 = tpu.memref_slice %arg5[%mul3A_26] : memref<1638400xi32, #tpu.memory_space<hbm>> -> memref<3200xi32, #tpu.memory_space<hbm>>
        tpu.wait_dma2 semaphore(%arg8 : memref<!tpu.dma_semaphore, #tpu.memory_space<semaphore_mem>>) src(%dma_wait3A_30 : memref<3200xi32, #tpu.memory_space<hbm>>) dst(%run_scoped3A_1 : memref<3200xi32, #tpu.memory_space<vmem>>)
        %dma_wait3A_31 = tpu.memref_slice %arg6[%mul3A_26] : memref<1638400xi32, #tpu.memory_space<hbm>> -> memref<3200xi32, #tpu.memory_space<hbm>>
        %dma_wait3A_32 = tpu.memref_slice %arg6[%mul3A_26] : memref<1638400xi32, #tpu.memory_space<hbm>> -> memref<3200xi32, #tpu.memory_space<hbm>>
        tpu.wait_dma2 semaphore(%arg8 : memref<!tpu.dma_semaphore, #tpu.memory_space<semaphore_mem>>) src(%dma_wait3A_32 : memref<3200xi32, #tpu.memory_space<hbm>>) dst(%run_scoped3A_2 : memref<3200xi32, #tpu.memory_space<vmem>>)
        %parallel_loop3A = arith.constant 0 : i32
        %parallel_loop3A_33 = arith.constant 3200 : i32
        %parallel_loop3A_34 = arith.constant 16 : i32
        scf.for %parallel_loop3A_35 = %parallel_loop3A to %parallel_loop3A_33 step %parallel_loop3A_34  : i32 {
          %parallel_loop3A_36 = arith.index_cast %parallel_loop3A_35 : i32 to index
          %parallel_loop3A_37 = tpu.vector_load %run_scoped3A_1[%parallel_loop3A_36] {strides = array<i32>} : memref<3200xi32, #tpu.memory_space<vmem>>, vector<16xi32>,
          %parallel_loop3A_38 = tpu.vector_load_idx %run_scoped3A[%parallel_loop3A_37] : memref<100000xf32, #tpu.memory_space<vmem>>[vector<16xi32>], vector<16xf32>,
          %parallel_loop3A_39 = arith.index_cast %parallel_loop3A_35 : i32 to index
          %parallel_loop3A_40 = tpu.vector_load %run_scoped3A_2[%parallel_loop3A_39] {strides = array<i32>} : memref<3200xi32, #tpu.memory_space<vmem>>, vector<16xi32>,
          %parallel_loop3A_41 = tpu.vector_load_idx %run_scoped3A[%parallel_loop3A_40] : memref<100000xf32, #tpu.memory_space<vmem>>[vector<16xi32>], vector<16xf32>,
          %parallel_loop3A_42 = arith.subf %parallel_loop3A_41, %parallel_loop3A_38 : vector<16xf32>
          %parallel_loop3A_43 = arith.mulf %parallel_loop3A_42, %parallel_loop3A_42 : vector<16xf32>
          %parallel_loop3A_44 = arith.index_cast %parallel_loop3A_35 : i32 to index
          %parallel_loop3A_45 = tpu.vector_load %run_scoped3A_3[%parallel_loop3A_44] {strides = array<i32>} : memref<3200xf32, #tpu.memory_space<vmem>>, vector<16xf32>,
          tpu.vector_store %run_scoped3A_3[%parallel_loop3A_44], %parallel_loop3A_43 {strides = array<i32>} : memref<3200xf32, #tpu.memory_space<vmem>>, vector<16xf32>,
        } {sc.loop_unroll_factor = 8 : i64, sc.parallel_access}
        "tpu.region"() ({
          %run_scoped3A_35 = tpu.sem_alloc : memref<!tpu.dma_semaphore, #tpu.memory_space<semaphore_mem>>
          %dma_start3A_36 = tpu.memref_slice %arg7[%mul3A_26] : memref<1638400xf32, #tpu.memory_space<hbm>> -> memref<3200xf32, #tpu.memory_space<hbm>>
          %dma_start3A_37 = tpu.memref_slice %arg7[%mul3A_26] : memref<1638400xf32, #tpu.memory_space<hbm>> -> memref<3200xf32, #tpu.memory_space<hbm>>
          tpu.enqueue_dma source(%run_scoped3A_3 : memref<3200xf32, #tpu.memory_space<vmem>>) target(%dma_start3A_37 : memref<3200xf32, #tpu.memory_space<hbm>>) target_semaphore(%run_scoped3A_35 : memref<!tpu.dma_semaphore, #tpu.memory_space<semaphore_mem>>)
          %dma_wait3A_38 = tpu.memref_slice %arg7[%mul3A_26] : memref<1638400xf32, #tpu.memory_space<hbm>> -> memref<3200xf32, #tpu.memory_space<hbm>>
          %dma_wait3A_39 = tpu.memref_slice %arg7[%mul3A_26] : memref<1638400xf32, #tpu.memory_space<hbm>> -> memref<3200xf32, #tpu.memory_space<hbm>>
          tpu.wait_dma2 semaphore(%run_scoped3A_35 : memref<!tpu.dma_semaphore, #tpu.memory_space<semaphore_mem>>) src(%run_scoped3A_3 : memref<3200xf32, #tpu.memory_space<vmem>>) dst(%dma_wait3A_39 : memref<3200xf32, #tpu.memory_space<hbm>>)
          tpu.yield
        }) : () -> ()
      }
      %scan3A_8 = arith.constant 16 : i32
      "tpu.region"() ({
        %run_scoped3A_21 = tpu.sem_alloc : memref<!tpu.dma_semaphore, #tpu.memory_space<semaphore_mem>>
        tpu.enqueue_dma source(%arg3 : memref<100000xf32, #tpu.memory_space<hbm>>) target(%run_scoped3A : memref<100000xf32, #tpu.memory_space<vmem>>) target_semaphore(%run_scoped3A_21 : memref<!tpu.dma_semaphore, #tpu.memory_space<semaphore_mem>>)
        tpu.wait_dma2 semaphore(%run_scoped3A_21 : memref<!tpu.dma_semaphore, #tpu.memory_space<semaphore_mem>>) src(%arg3 : memref<100000xf32, #tpu.memory_space<hbm>>) dst(%run_scoped3A : memref<100000xf32, #tpu.memory_space<vmem>>)
        tpu.yield
      }) : () -> ()
      %scan3A_9 = arith.constant 0 : i32
      %scan3A_10 = arith.constant 0 : i32
      %scan3A_11 = arith.constant 16 : i32
      %scan3A_12 = arith.addi %scan3A_10, %scan3A_11 : i32
      %scan3A_13 = arith.constant 1 : i32
      scf.for %scan3A_21 = %scan3A_10 to %scan3A_12 step %scan3A_13  : i32 {
        %mul3A_22 = arith.constant 32 : i32
        %mul3A_23 = arith.muli %scan3A_21, %mul3A_22 : i32
        %add3A_24 = arith.addi %mul3A_23, %add3A : i32
        %mul3A_25 = arith.constant 3200 : i32
        %mul3A_26 = arith.muli %add3A_24, %mul3A_25 : i32
        %dma_start3A = tpu.memref_slice %arg5[%mul3A_26] : memref<1638400xi32, #tpu.memory_space<hbm>> -> memref<3200xi32, #tpu.memory_space<hbm>>
        %dma_start3A_27 = tpu.memref_slice %arg5[%mul3A_26] : memref<1638400xi32, #tpu.memory_space<hbm>> -> memref<3200xi32, #tpu.memory_space<hbm>>
        tpu.enqueue_dma source(%dma_start3A_27 : memref<3200xi32, #tpu.memory_space<hbm>>) target(%run_scoped3A_1 : memref<3200xi32, #tpu.memory_space<vmem>>) target_semaphore(%arg8 : memref<!tpu.dma_semaphore, #tpu.memory_space<semaphore_mem>>)
        %dma_start3A_28 = tpu.memref_slice %arg6[%mul3A_26] : memref<1638400xi32, #tpu.memory_space<hbm>> -> memref<3200xi32, #tpu.memory_space<hbm>>
        %dma_start3A_29 = tpu.memref_slice %arg6[%mul3A_26] : memref<1638400xi32, #tpu.memory_space<hbm>> -> memref<3200xi32, #tpu.memory_space<hbm>>
        tpu.enqueue_dma source(%dma_start3A_29 : memref<3200xi32, #tpu.memory_space<hbm>>) target(%run_scoped3A_2 : memref<3200xi32, #tpu.memory_space<vmem>>) target_semaphore(%arg8 : memref<!tpu.dma_semaphore, #tpu.memory_space<semaphore_mem>>)
        %dma_start3A_30 = tpu.memref_slice %arg7[%mul3A_26] : memref<1638400xf32, #tpu.memory_space<hbm>> -> memref<3200xf32, #tpu.memory_space<hbm>>
        %dma_start3A_31 = tpu.memref_slice %arg7[%mul3A_26] : memref<1638400xf32, #tpu.memory_space<hbm>> -> memref<3200xf32, #tpu.memory_space<hbm>>
        tpu.enqueue_dma source(%dma_start3A_31 : memref<3200xf32, #tpu.memory_space<hbm>>) target(%run_scoped3A_3 : memref<3200xf32, #tpu.memory_space<vmem>>) target_semaphore(%arg8 : memref<!tpu.dma_semaphore, #tpu.memory_space<semaphore_mem>>)
        %dma_wait3A = tpu.memref_slice %arg5[%mul3A_26] : memref<1638400xi32, #tpu.memory_space<hbm>> -> memref<3200xi32, #tpu.memory_space<hbm>>
        %dma_wait3A_32 = tpu.memref_slice %arg5[%mul3A_26] : memref<1638400xi32, #tpu.memory_space<hbm>> -> memref<3200xi32, #tpu.memory_space<hbm>>
        tpu.wait_dma2 semaphore(%arg8 : memref<!tpu.dma_semaphore, #tpu.memory_space<semaphore_mem>>) src(%dma_wait3A_32 : memref<3200xi32, #tpu.memory_space<hbm>>) dst(%run_scoped3A_1 : memref<3200xi32, #tpu.memory_space<vmem>>)
        %dma_wait3A_33 = tpu.memref_slice %arg6[%mul3A_26] : memref<1638400xi32, #tpu.memory_space<hbm>> -> memref<3200xi32, #tpu.memory_space<hbm>>
        %dma_wait3A_34 = tpu.memref_slice %arg6[%mul3A_26] : memref<1638400xi32, #tpu.memory_space<hbm>> -> memref<3200xi32, #tpu.memory_space<hbm>>
        tpu.wait_dma2 semaphore(%arg8 : memref<!tpu.dma_semaphore, #tpu.memory_space<semaphore_mem>>) src(%dma_wait3A_34 : memref<3200xi32, #tpu.memory_space<hbm>>) dst(%run_scoped3A_2 : memref<3200xi32, #tpu.memory_space<vmem>>)
        %dma_wait3A_35 = tpu.memref_slice %arg7[%mul3A_26] : memref<1638400xf32, #tpu.memory_space<hbm>> -> memref<3200xf32, #tpu.memory_space<hbm>>
        %dma_wait3A_36 = tpu.memref_slice %arg7[%mul3A_26] : memref<1638400xf32, #tpu.memory_space<hbm>> -> memref<3200xf32, #tpu.memory_space<hbm>>
        tpu.wait_dma2 semaphore(%arg8 : memref<!tpu.dma_semaphore, #tpu.memory_space<semaphore_mem>>) src(%dma_wait3A_36 : memref<3200xf32, #tpu.memory_space<hbm>>) dst(%run_scoped3A_3 : memref<3200xf32, #tpu.memory_space<vmem>>)
        %parallel_loop3A = arith.constant 0 : i32
        %parallel_loop3A_37 = arith.constant 3200 : i32
        %parallel_loop3A_38 = arith.constant 16 : i32
        scf.for %parallel_loop3A_39 = %parallel_loop3A to %parallel_loop3A_37 step %parallel_loop3A_38  : i32 {
          %parallel_loop3A_40 = arith.index_cast %parallel_loop3A_39 : i32 to index
          %parallel_loop3A_41 = tpu.vector_load %run_scoped3A_1[%parallel_loop3A_40] {strides = array<i32>} : memref<3200xi32, #tpu.memory_space<vmem>>, vector<16xi32>,
          %parallel_loop3A_42 = tpu.vector_load_idx %run_scoped3A[%parallel_loop3A_41] : memref<100000xf32, #tpu.memory_space<vmem>>[vector<16xi32>], vector<16xf32>,
          %parallel_loop3A_43 = arith.index_cast %parallel_loop3A_39 : i32 to index
          %parallel_loop3A_44 = tpu.vector_load %run_scoped3A_2[%parallel_loop3A_43] {strides = array<i32>} : memref<3200xi32, #tpu.memory_space<vmem>>, vector<16xi32>,
          %parallel_loop3A_45 = tpu.vector_load_idx %run_scoped3A[%parallel_loop3A_44] : memref<100000xf32, #tpu.memory_space<vmem>>[vector<16xi32>], vector<16xf32>,
          %parallel_loop3A_46 = arith.subf %parallel_loop3A_45, %parallel_loop3A_42 : vector<16xf32>
          %parallel_loop3A_47 = arith.index_cast %parallel_loop3A_39 : i32 to index
          %parallel_loop3A_48 = tpu.vector_load %run_scoped3A_3[%parallel_loop3A_47] {strides = array<i32>} : memref<3200xf32, #tpu.memory_space<vmem>>, vector<16xf32>,
          %parallel_loop3A_49 = arith.mulf %parallel_loop3A_46, %parallel_loop3A_46 : vector<16xf32>
          %parallel_loop3A_50 = arith.addf %parallel_loop3A_48, %parallel_loop3A_49 : vector<16xf32>
          %parallel_loop3A_51 = arith.index_cast %parallel_loop3A_39 : i32 to index
          %parallel_loop3A_52 = tpu.vector_load %run_scoped3A_3[%parallel_loop3A_51] {strides = array<i32>} : memref<3200xf32, #tpu.memory_space<vmem>>, vector<16xf32>,
          tpu.vector_store %run_scoped3A_3[%parallel_loop3A_51], %parallel_loop3A_50 {strides = array<i32>} : memref<3200xf32, #tpu.memory_space<vmem>>, vector<16xf32>,
        } {sc.loop_unroll_factor = 8 : i64, sc.parallel_access}
        "tpu.region"() ({
          %run_scoped3A_39 = tpu.sem_alloc : memref<!tpu.dma_semaphore, #tpu.memory_space<semaphore_mem>>
          %dma_start3A_40 = tpu.memref_slice %arg7[%mul3A_26] : memref<1638400xf32, #tpu.memory_space<hbm>> -> memref<3200xf32, #tpu.memory_space<hbm>>
          %dma_start3A_41 = tpu.memref_slice %arg7[%mul3A_26] : memref<1638400xf32, #tpu.memory_space<hbm>> -> memref<3200xf32, #tpu.memory_space<hbm>>
          tpu.enqueue_dma source(%run_scoped3A_3 : memref<3200xf32, #tpu.memory_space<vmem>>) target(%dma_start3A_41 : memref<3200xf32, #tpu.memory_space<hbm>>) target_semaphore(%run_scoped3A_39 : memref<!tpu.dma_semaphore, #tpu.memory_space<semaphore_mem>>)
          %dma_wait3A_42 = tpu.memref_slice %arg7[%mul3A_26] : memref<1638400xf32, #tpu.memory_space<hbm>> -> memref<3200xf32, #tpu.memory_space<hbm>>
          %dma_wait3A_43 = tpu.memref_slice %arg7[%mul3A_26] : memref<1638400xf32, #tpu.memory_space<hbm>> -> memref<3200xf32, #tpu.memory_space<hbm>>
          tpu.wait_dma2 semaphore(%run_scoped3A_39 : memref<!tpu.dma_semaphore, #tpu.memory_space<semaphore_mem>>) src(%run_scoped3A_3 : memref<3200xf32, #tpu.memory_space<vmem>>) dst(%dma_wait3A_43 : memref<3200xf32, #tpu.memory_space<hbm>>)
          tpu.yield
        }) : () -> ()
      }
      %scan3A_14 = arith.constant 16 : i32
      "tpu.region"() ({
        %run_scoped3A_21 = tpu.sem_alloc : memref<!tpu.dma_semaphore, #tpu.memory_space<semaphore_mem>>
        tpu.enqueue_dma source(%arg4 : memref<100000xf32, #tpu.memory_space<hbm>>) target(%run_scoped3A : memref<100000xf32, #tpu.memory_space<vmem>>) target_semaphore(%run_scoped3A_21 : memref<!tpu.dma_semaphore, #tpu.memory_space<semaphore_mem>>)
        tpu.wait_dma2 semaphore(%run_scoped3A_21 : memref<!tpu.dma_semaphore, #tpu.memory_space<semaphore_mem>>) src(%arg4 : memref<100000xf32, #tpu.memory_space<hbm>>) dst(%run_scoped3A : memref<100000xf32, #tpu.memory_space<vmem>>)
        tpu.yield
      }) : () -> ()
      %scan3A_15 = arith.constant 0 : i32
      %scan3A_16 = arith.constant 0 : i32
      %scan3A_17 = arith.constant 16 : i32
      %scan3A_18 = arith.addi %scan3A_16, %scan3A_17 : i32
      %scan3A_19 = arith.constant 1 : i32
      scf.for %scan3A_21 = %scan3A_16 to %scan3A_18 step %scan3A_19  : i32 {
        %mul3A_22 = arith.constant 32 : i32
        %mul3A_23 = arith.muli %scan3A_21, %mul3A_22 : i32
        %add3A_24 = arith.addi %mul3A_23, %add3A : i32
        %mul3A_25 = arith.constant 3200 : i32
        %mul3A_26 = arith.muli %add3A_24, %mul3A_25 : i32
        %dma_start3A = tpu.memref_slice %arg5[%mul3A_26] : memref<1638400xi32, #tpu.memory_space<hbm>> -> memref<3200xi32, #tpu.memory_space<hbm>>
        %dma_start3A_27 = tpu.memref_slice %arg5[%mul3A_26] : memref<1638400xi32, #tpu.memory_space<hbm>> -> memref<3200xi32, #tpu.memory_space<hbm>>
        tpu.enqueue_dma source(%dma_start3A_27 : memref<3200xi32, #tpu.memory_space<hbm>>) target(%run_scoped3A_1 : memref<3200xi32, #tpu.memory_space<vmem>>) target_semaphore(%arg8 : memref<!tpu.dma_semaphore, #tpu.memory_space<semaphore_mem>>)
        %dma_start3A_28 = tpu.memref_slice %arg6[%mul3A_26] : memref<1638400xi32, #tpu.memory_space<hbm>> -> memref<3200xi32, #tpu.memory_space<hbm>>
        %dma_start3A_29 = tpu.memref_slice %arg6[%mul3A_26] : memref<1638400xi32, #tpu.memory_space<hbm>> -> memref<3200xi32, #tpu.memory_space<hbm>>
        tpu.enqueue_dma source(%dma_start3A_29 : memref<3200xi32, #tpu.memory_space<hbm>>) target(%run_scoped3A_2 : memref<3200xi32, #tpu.memory_space<vmem>>) target_semaphore(%arg8 : memref<!tpu.dma_semaphore, #tpu.memory_space<semaphore_mem>>)
        %dma_start3A_30 = tpu.memref_slice %arg7[%mul3A_26] : memref<1638400xf32, #tpu.memory_space<hbm>> -> memref<3200xf32, #tpu.memory_space<hbm>>
        %dma_start3A_31 = tpu.memref_slice %arg7[%mul3A_26] : memref<1638400xf32, #tpu.memory_space<hbm>> -> memref<3200xf32, #tpu.memory_space<hbm>>
        tpu.enqueue_dma source(%dma_start3A_31 : memref<3200xf32, #tpu.memory_space<hbm>>) target(%run_scoped3A_3 : memref<3200xf32, #tpu.memory_space<vmem>>) target_semaphore(%arg8 : memref<!tpu.dma_semaphore, #tpu.memory_space<semaphore_mem>>)
        %dma_wait3A = tpu.memref_slice %arg5[%mul3A_26] : memref<1638400xi32, #tpu.memory_space<hbm>> -> memref<3200xi32, #tpu.memory_space<hbm>>
        %dma_wait3A_32 = tpu.memref_slice %arg5[%mul3A_26] : memref<1638400xi32, #tpu.memory_space<hbm>> -> memref<3200xi32, #tpu.memory_space<hbm>>
        tpu.wait_dma2 semaphore(%arg8 : memref<!tpu.dma_semaphore, #tpu.memory_space<semaphore_mem>>) src(%dma_wait3A_32 : memref<3200xi32, #tpu.memory_space<hbm>>) dst(%run_scoped3A_1 : memref<3200xi32, #tpu.memory_space<vmem>>)
        %dma_wait3A_33 = tpu.memref_slice %arg6[%mul3A_26] : memref<1638400xi32, #tpu.memory_space<hbm>> -> memref<3200xi32, #tpu.memory_space<hbm>>
        %dma_wait3A_34 = tpu.memref_slice %arg6[%mul3A_26] : memref<1638400xi32, #tpu.memory_space<hbm>> -> memref<3200xi32, #tpu.memory_space<hbm>>
        tpu.wait_dma2 semaphore(%arg8 : memref<!tpu.dma_semaphore, #tpu.memory_space<semaphore_mem>>) src(%dma_wait3A_34 : memref<3200xi32, #tpu.memory_space<hbm>>) dst(%run_scoped3A_2 : memref<3200xi32, #tpu.memory_space<vmem>>)
        %dma_wait3A_35 = tpu.memref_slice %arg7[%mul3A_26] : memref<1638400xf32, #tpu.memory_space<hbm>> -> memref<3200xf32, #tpu.memory_space<hbm>>
        %dma_wait3A_36 = tpu.memref_slice %arg7[%mul3A_26] : memref<1638400xf32, #tpu.memory_space<hbm>> -> memref<3200xf32, #tpu.memory_space<hbm>>
        tpu.wait_dma2 semaphore(%arg8 : memref<!tpu.dma_semaphore, #tpu.memory_space<semaphore_mem>>) src(%dma_wait3A_36 : memref<3200xf32, #tpu.memory_space<hbm>>) dst(%run_scoped3A_3 : memref<3200xf32, #tpu.memory_space<vmem>>)
        %parallel_loop3A = arith.constant 0 : i32
        %parallel_loop3A_37 = arith.constant 3200 : i32
        %parallel_loop3A_38 = arith.constant 16 : i32
        scf.for %parallel_loop3A_39 = %parallel_loop3A to %parallel_loop3A_37 step %parallel_loop3A_38  : i32 {
          %parallel_loop3A_40 = arith.index_cast %parallel_loop3A_39 : i32 to index
          %parallel_loop3A_41 = tpu.vector_load %run_scoped3A_1[%parallel_loop3A_40] {strides = array<i32>} : memref<3200xi32, #tpu.memory_space<vmem>>, vector<16xi32>,
          %parallel_loop3A_42 = tpu.vector_load_idx %run_scoped3A[%parallel_loop3A_41] : memref<100000xf32, #tpu.memory_space<vmem>>[vector<16xi32>], vector<16xf32>,
          %parallel_loop3A_43 = arith.index_cast %parallel_loop3A_39 : i32 to index
          %parallel_loop3A_44 = tpu.vector_load %run_scoped3A_2[%parallel_loop3A_43] {strides = array<i32>} : memref<3200xi32, #tpu.memory_space<vmem>>, vector<16xi32>,
          %parallel_loop3A_45 = tpu.vector_load_idx %run_scoped3A[%parallel_loop3A_44] : memref<100000xf32, #tpu.memory_space<vmem>>[vector<16xi32>], vector<16xf32>,
          %parallel_loop3A_46 = arith.subf %parallel_loop3A_45, %parallel_loop3A_42 : vector<16xf32>
          %parallel_loop3A_47 = arith.index_cast %parallel_loop3A_39 : i32 to index
          %parallel_loop3A_48 = tpu.vector_load %run_scoped3A_3[%parallel_loop3A_47] {strides = array<i32>} : memref<3200xf32, #tpu.memory_space<vmem>>, vector<16xf32>,
          %parallel_loop3A_49 = arith.mulf %parallel_loop3A_46, %parallel_loop3A_46 : vector<16xf32>
          %parallel_loop3A_50 = arith.addf %parallel_loop3A_48, %parallel_loop3A_49 : vector<16xf32>
          %parallel_loop3A_51 = arith.index_cast %parallel_loop3A_39 : i32 to index
          %parallel_loop3A_52 = tpu.vector_load %run_scoped3A_3[%parallel_loop3A_51] {strides = array<i32>} : memref<3200xf32, #tpu.memory_space<vmem>>, vector<16xf32>,
          tpu.vector_store %run_scoped3A_3[%parallel_loop3A_51], %parallel_loop3A_50 {strides = array<i32>} : memref<3200xf32, #tpu.memory_space<vmem>>, vector<16xf32>,
        } {sc.loop_unroll_factor = 8 : i64, sc.parallel_access}
        "tpu.region"() ({
          %run_scoped3A_39 = tpu.sem_alloc : memref<!tpu.dma_semaphore, #tpu.memory_space<semaphore_mem>>
          %dma_start3A_40 = tpu.memref_slice %arg7[%mul3A_26] : memref<1638400xf32, #tpu.memory_space<hbm>> -> memref<3200xf32, #tpu.memory_space<hbm>>
          %dma_start3A_41 = tpu.memref_slice %arg7[%mul3A_26] : memref<1638400xf32, #tpu.memory_space<hbm>> -> memref<3200xf32, #tpu.memory_space<hbm>>
          tpu.enqueue_dma source(%run_scoped3A_3 : memref<3200xf32, #tpu.memory_space<vmem>>) target(%dma_start3A_41 : memref<3200xf32, #tpu.memory_space<hbm>>) target_semaphore(%run_scoped3A_39 : memref<!tpu.dma_semaphore, #tpu.memory_space<semaphore_mem>>)
          %dma_wait3A_42 = tpu.memref_slice %arg7[%mul3A_26] : memref<1638400xf32, #tpu.memory_space<hbm>> -> memref<3200xf32, #tpu.memory_space<hbm>>
          %dma_wait3A_43 = tpu.memref_slice %arg7[%mul3A_26] : memref<1638400xf32, #tpu.memory_space<hbm>> -> memref<3200xf32, #tpu.memory_space<hbm>>
          tpu.wait_dma2 semaphore(%run_scoped3A_39 : memref<!tpu.dma_semaphore, #tpu.memory_space<semaphore_mem>>) src(%run_scoped3A_3 : memref<3200xf32, #tpu.memory_space<vmem>>) dst(%dma_wait3A_43 : memref<3200xf32, #tpu.memory_space<hbm>>)
          tpu.yield
        }) : () -> ()
      }
      %scan3A_20 = arith.constant 16 : i32
      tpu.yield
    }) : () -> ()
    return
  }
}

#map = affine_map<(d0, d1) -> (0, 0)>
#map1 = affine_map<(d0, d1) -> (0, 0, 0)>
module attributes {stable_mosaic.version = 14 : i64} {
  func.func @_sc_feats(%arg0: i32, %arg1: i32, %arg2: memref<95x128xf32, #tpu.memory_space<hbm>>, %arg3: memref<100x8x128xi32, #tpu.memory_space<hbm>>, %arg4: memref<102400x128xf32, #tpu.memory_space<hbm>>, %arg5: memref<!tpu.dma_semaphore, #tpu.memory_space<semaphore_mem>>) attributes {dimension_semantics = [#tpu.dimension_semantics<core_parallel>, #tpu.dimension_semantics<subcore_parallel>], iteration_bounds = array<i64: 2, 16>, scalar_prefetch = 0 : i64, scratch_operands = 1 : i64, tpu.core_type = #tpu.core_type<sc_vector_subcore>, window_params = [{transform_indices = #map}, {transform_indices = #map1}, {transform_indices = #map}]} {
    %mul3A = arith.constant 2 : i32
    %mul3A_0 = arith.muli %arg1, %mul3A : i32
    %add3A = arith.addi %mul3A_0, %arg0 : i32
    "tpu.region"() ({
      %run_scoped3A = memref.alloca() : memref<8x128xi32, #tpu.memory_space<vmem>>
      %run_scoped3A_1 = memref.alloca() : memref<512x128xf32, #tpu.memory_space<vmem>>
      %scan3A = arith.constant 0 : i32
      %scan3A_2 = arith.constant 0 : i32
      %scan3A_3 = arith.constant 4 : i32
      %scan3A_4 = arith.addi %scan3A_2, %scan3A_3 : i32
      %scan3A_5 = arith.constant 1 : i32
      scf.for %scan3A_7 = %scan3A_2 to %scan3A_4 step %scan3A_5  : i32 {
        %mul3A_8 = arith.constant 32 : i32
        %mul3A_9 = arith.muli %scan3A_7, %mul3A_8 : i32
        %add3A_10 = arith.addi %mul3A_9, %add3A : i32
        %lt3A = arith.constant 100 : i32
        %lt3A_11 = arith.cmpi slt, %add3A_10, %lt3A : i32
        %convert_element_type3A = arith.extui %lt3A_11 : i1 to i32
        %cond3A = arith.constant 0 : i32
        %cond3A_12 = arith.cmpi ne, %convert_element_type3A, %cond3A : i32
        scf.if %cond3A_12 {
          "tpu.region"() ({
            %run_scoped3A_179 = tpu.sem_alloc : memref<!tpu.dma_semaphore, #tpu.memory_space<semaphore_mem>>
            %dma_start3A_180 = arith.constant 0 : i32
            %dma_start3A_181 = arith.constant 0 : i32
            %dma_start3A_182 = tpu.memref_slice %arg3[%add3A_10, %dma_start3A_180, %dma_start3A_181] : memref<100x8x128xi32, #tpu.memory_space<hbm>> -> memref<1x8x128xi32, #tpu.memory_space<hbm>>
            %dma_start3A_183 = tpu.memref_squeeze %dma_start3A_182 : memref<1x8x128xi32, #tpu.memory_space<hbm>> -> memref<8x128xi32, #tpu.memory_space<hbm>>
            %dma_start3A_184 = arith.constant 0 : i32
            %dma_start3A_185 = arith.constant 0 : i32
            %dma_start3A_186 = tpu.memref_slice %arg3[%add3A_10, %dma_start3A_184, %dma_start3A_185] : memref<100x8x128xi32, #tpu.memory_space<hbm>> -> memref<1x8x128xi32, #tpu.memory_space<hbm>>
            %dma_start3A_187 = tpu.memref_squeeze %dma_start3A_186 : memref<1x8x128xi32, #tpu.memory_space<hbm>> -> memref<8x128xi32, #tpu.memory_space<hbm>>
            tpu.enqueue_dma source(%dma_start3A_187 : memref<8x128xi32, #tpu.memory_space<hbm>>) target(%run_scoped3A : memref<8x128xi32, #tpu.memory_space<vmem>>) target_semaphore(%run_scoped3A_179 : memref<!tpu.dma_semaphore, #tpu.memory_space<semaphore_mem>>)
            %dma_wait3A_188 = arith.constant 0 : i32
            %dma_wait3A_189 = arith.constant 0 : i32
            %dma_wait3A_190 = tpu.memref_slice %arg3[%add3A_10, %dma_wait3A_188, %dma_wait3A_189] : memref<100x8x128xi32, #tpu.memory_space<hbm>> -> memref<1x8x128xi32, #tpu.memory_space<hbm>>
            %dma_wait3A_191 = tpu.memref_squeeze %dma_wait3A_190 : memref<1x8x128xi32, #tpu.memory_space<hbm>> -> memref<8x128xi32, #tpu.memory_space<hbm>>
            %dma_wait3A_192 = arith.constant 0 : i32
            %dma_wait3A_193 = arith.constant 0 : i32
            %dma_wait3A_194 = tpu.memref_slice %arg3[%add3A_10, %dma_wait3A_192, %dma_wait3A_193] : memref<100x8x128xi32, #tpu.memory_space<hbm>> -> memref<1x8x128xi32, #tpu.memory_space<hbm>>
            %dma_wait3A_195 = tpu.memref_squeeze %dma_wait3A_194 : memref<1x8x128xi32, #tpu.memory_space<hbm>> -> memref<8x128xi32, #tpu.memory_space<hbm>>
            tpu.wait_dma2 semaphore(%run_scoped3A_179 : memref<!tpu.dma_semaphore, #tpu.memory_space<semaphore_mem>>) src(%dma_wait3A_195 : memref<8x128xi32, #tpu.memory_space<hbm>>) dst(%run_scoped3A : memref<8x128xi32, #tpu.memory_space<vmem>>)
            tpu.yield
          }) : () -> ()
          %dma_start3A = arith.constant 0 : i32
          %dma_start3A_13 = arith.constant 0 : i32
          %dma_start3A_14 = arith.constant 0 : i32
          %dma_start3A_15 = tpu.memref_slice %run_scoped3A_1[%dma_start3A_13, %dma_start3A_14] : memref<512x128xf32, #tpu.memory_space<vmem>> -> memref<128x128xf32, #tpu.memory_space<vmem>>
          %dma_start3A_16 = arith.constant 0 : i32
          %dma_start3A_17 = tpu.memref_slice %run_scoped3A[%dma_start3A, %dma_start3A_16] : memref<8x128xi32, #tpu.memory_space<vmem>> -> memref<1x128xi32, #tpu.memory_space<vmem>>
          %dma_start3A_18 = tpu.memref_squeeze %dma_start3A_17 : memref<1x128xi32, #tpu.memory_space<vmem>> -> memref<128xi32, #tpu.memory_space<vmem>>
          %dma_start3A_19 = arith.constant 0 : i32
          %dma_start3A_20 = arith.constant 0 : i32
          %dma_start3A_21 = tpu.memref_slice %arg2[%dma_start3A_19, %dma_start3A_20] : memref<95x128xf32, #tpu.memory_space<hbm>> -> memref<95x128xf32, #tpu.memory_space<hbm>>
          tpu.enqueue_indirect_dma source(%dma_start3A_21 : memref<95x128xf32, #tpu.memory_space<hbm>>) target(%dma_start3A_15 : memref<128x128xf32, #tpu.memory_space<vmem>>) offsets(%dma_start3A_18 : memref<128xi32, #tpu.memory_space<vmem>>) semaphore(%arg5 : memref<!tpu.dma_semaphore, #tpu.memory_space<semaphore_mem>>)
          %dma_start3A_22 = arith.constant 1 : i32
          %dma_start3A_23 = arith.constant 128 : i32
          %dma_start3A_24 = arith.constant 0 : i32
          %dma_start3A_25 = tpu.memref_slice %run_scoped3A_1[%dma_start3A_23, %dma_start3A_24] : memref<512x128xf32, #tpu.memory_space<vmem>> -> memref<128x128xf32, #tpu.memory_space<vmem>>
          %dma_start3A_26 = arith.constant 0 : i32
          %dma_start3A_27 = tpu.memref_slice %run_scoped3A[%dma_start3A_22, %dma_start3A_26] : memref<8x128xi32, #tpu.memory_space<vmem>> -> memref<1x128xi32, #tpu.memory_space<vmem>>
          %dma_start3A_28 = tpu.memref_squeeze %dma_start3A_27 : memref<1x128xi32, #tpu.memory_space<vmem>> -> memref<128xi32, #tpu.memory_space<vmem>>
          %dma_start3A_29 = arith.constant 0 : i32
          %dma_start3A_30 = arith.constant 0 : i32
          %dma_start3A_31 = tpu.memref_slice %arg2[%dma_start3A_29, %dma_start3A_30] : memref<95x128xf32, #tpu.memory_space<hbm>> -> memref<95x128xf32, #tpu.memory_space<hbm>>
          tpu.enqueue_indirect_dma source(%dma_start3A_31 : memref<95x128xf32, #tpu.memory_space<hbm>>) target(%dma_start3A_25 : memref<128x128xf32, #tpu.memory_space<vmem>>) offsets(%dma_start3A_28 : memref<128xi32, #tpu.memory_space<vmem>>) semaphore(%arg5 : memref<!tpu.dma_semaphore, #tpu.memory_space<semaphore_mem>>)
          %dma_start3A_32 = arith.constant 2 : i32
          %dma_start3A_33 = arith.constant 256 : i32
          %dma_start3A_34 = arith.constant 0 : i32
          %dma_start3A_35 = tpu.memref_slice %run_scoped3A_1[%dma_start3A_33, %dma_start3A_34] : memref<512x128xf32, #tpu.memory_space<vmem>> -> memref<128x128xf32, #tpu.memory_space<vmem>>
          %dma_start3A_36 = arith.constant 0 : i32
          %dma_start3A_37 = tpu.memref_slice %run_scoped3A[%dma_start3A_32, %dma_start3A_36] : memref<8x128xi32, #tpu.memory_space<vmem>> -> memref<1x128xi32, #tpu.memory_space<vmem>>
          %dma_start3A_38 = tpu.memref_squeeze %dma_start3A_37 : memref<1x128xi32, #tpu.memory_space<vmem>> -> memref<128xi32, #tpu.memory_space<vmem>>
          %dma_start3A_39 = arith.constant 0 : i32
          %dma_start3A_40 = arith.constant 0 : i32
          %dma_start3A_41 = tpu.memref_slice %arg2[%dma_start3A_39, %dma_start3A_40] : memref<95x128xf32, #tpu.memory_space<hbm>> -> memref<95x128xf32, #tpu.memory_space<hbm>>
          tpu.enqueue_indirect_dma source(%dma_start3A_41 : memref<95x128xf32, #tpu.memory_space<hbm>>) target(%dma_start3A_35 : memref<128x128xf32, #tpu.memory_space<vmem>>) offsets(%dma_start3A_38 : memref<128xi32, #tpu.memory_space<vmem>>) semaphore(%arg5 : memref<!tpu.dma_semaphore, #tpu.memory_space<semaphore_mem>>)
          %dma_start3A_42 = arith.constant 3 : i32
          %dma_start3A_43 = arith.constant 384 : i32
          %dma_start3A_44 = arith.constant 0 : i32
          %dma_start3A_45 = tpu.memref_slice %run_scoped3A_1[%dma_start3A_43, %dma_start3A_44] : memref<512x128xf32, #tpu.memory_space<vmem>> -> memref<128x128xf32, #tpu.memory_space<vmem>>
          %dma_start3A_46 = arith.constant 0 : i32
          %dma_start3A_47 = tpu.memref_slice %run_scoped3A[%dma_start3A_42, %dma_start3A_46] : memref<8x128xi32, #tpu.memory_space<vmem>> -> memref<1x128xi32, #tpu.memory_space<vmem>>
          %dma_start3A_48 = tpu.memref_squeeze %dma_start3A_47 : memref<1x128xi32, #tpu.memory_space<vmem>> -> memref<128xi32, #tpu.memory_space<vmem>>
          %dma_start3A_49 = arith.constant 0 : i32
          %dma_start3A_50 = arith.constant 0 : i32
          %dma_start3A_51 = tpu.memref_slice %arg2[%dma_start3A_49, %dma_start3A_50] : memref<95x128xf32, #tpu.memory_space<hbm>> -> memref<95x128xf32, #tpu.memory_space<hbm>>
          tpu.enqueue_indirect_dma source(%dma_start3A_51 : memref<95x128xf32, #tpu.memory_space<hbm>>) target(%dma_start3A_45 : memref<128x128xf32, #tpu.memory_space<vmem>>) offsets(%dma_start3A_48 : memref<128xi32, #tpu.memory_space<vmem>>) semaphore(%arg5 : memref<!tpu.dma_semaphore, #tpu.memory_space<semaphore_mem>>)
          %dma_wait3A = arith.constant 0 : i32
          %dma_wait3A_52 = arith.constant 0 : i32
          %dma_wait3A_53 = arith.constant 0 : i32
          %dma_wait3A_54 = tpu.memref_slice %run_scoped3A_1[%dma_wait3A_52, %dma_wait3A_53] : memref<512x128xf32, #tpu.memory_space<vmem>> -> memref<128x128xf32, #tpu.memory_space<vmem>>
          %dma_wait3A_55 = arith.constant 0 : i32
          %dma_wait3A_56 = tpu.memref_slice %run_scoped3A[%dma_wait3A, %dma_wait3A_55] : memref<8x128xi32, #tpu.memory_space<vmem>> -> memref<1x128xi32, #tpu.memory_space<vmem>>
          %dma_wait3A_57 = tpu.memref_squeeze %dma_wait3A_56 : memref<1x128xi32, #tpu.memory_space<vmem>> -> memref<128xi32, #tpu.memory_space<vmem>>
          %dma_wait3A_58 = arith.constant 0 : i32
          %dma_wait3A_59 = arith.constant 0 : i32
          %dma_wait3A_60 = tpu.memref_slice %arg2[%dma_wait3A_58, %dma_wait3A_59] : memref<95x128xf32, #tpu.memory_space<hbm>> -> memref<95x128xf32, #tpu.memory_space<hbm>>
          tpu.wait_indirect_dma semaphore(%arg5 : memref<!tpu.dma_semaphore, #tpu.memory_space<semaphore_mem>>) src(%dma_wait3A_60 : memref<95x128xf32, #tpu.memory_space<hbm>>) dst(%dma_wait3A_54 : memref<128x128xf32, #tpu.memory_space<vmem>>)
          %dma_wait3A_61 = arith.constant 1 : i32
          %dma_wait3A_62 = arith.constant 128 : i32
          %dma_wait3A_63 = arith.constant 0 : i32
          %dma_wait3A_64 = tpu.memref_slice %run_scoped3A_1[%dma_wait3A_62, %dma_wait3A_63] : memref<512x128xf32, #tpu.memory_space<vmem>> -> memref<128x128xf32, #tpu.memory_space<vmem>>
          %dma_wait3A_65 = arith.constant 0 : i32
          %dma_wait3A_66 = tpu.memref_slice %run_scoped3A[%dma_wait3A_61, %dma_wait3A_65] : memref<8x128xi32, #tpu.memory_space<vmem>> -> memref<1x128xi32, #tpu.memory_space<vmem>>
          %dma_wait3A_67 = tpu.memref_squeeze %dma_wait3A_66 : memref<1x128xi32, #tpu.memory_space<vmem>> -> memref<128xi32, #tpu.memory_space<vmem>>
          %dma_wait3A_68 = arith.constant 0 : i32
          %dma_wait3A_69 = arith.constant 0 : i32
          %dma_wait3A_70 = tpu.memref_slice %arg2[%dma_wait3A_68, %dma_wait3A_69] : memref<95x128xf32, #tpu.memory_space<hbm>> -> memref<95x128xf32, #tpu.memory_space<hbm>>
          tpu.wait_indirect_dma semaphore(%arg5 : memref<!tpu.dma_semaphore, #tpu.memory_space<semaphore_mem>>) src(%dma_wait3A_70 : memref<95x128xf32, #tpu.memory_space<hbm>>) dst(%dma_wait3A_64 : memref<128x128xf32, #tpu.memory_space<vmem>>)
          %dma_wait3A_71 = arith.constant 2 : i32
          %dma_wait3A_72 = arith.constant 256 : i32
          %dma_wait3A_73 = arith.constant 0 : i32
          %dma_wait3A_74 = tpu.memref_slice %run_scoped3A_1[%dma_wait3A_72, %dma_wait3A_73] : memref<512x128xf32, #tpu.memory_space<vmem>> -> memref<128x128xf32, #tpu.memory_space<vmem>>
          %dma_wait3A_75 = arith.constant 0 : i32
          %dma_wait3A_76 = tpu.memref_slice %run_scoped3A[%dma_wait3A_71, %dma_wait3A_75] : memref<8x128xi32, #tpu.memory_space<vmem>> -> memref<1x128xi32, #tpu.memory_space<vmem>>
          %dma_wait3A_77 = tpu.memref_squeeze %dma_wait3A_76 : memref<1x128xi32, #tpu.memory_space<vmem>> -> memref<128xi32, #tpu.memory_space<vmem>>
          %dma_wait3A_78 = arith.constant 0 : i32
          %dma_wait3A_79 = arith.constant 0 : i32
          %dma_wait3A_80 = tpu.memref_slice %arg2[%dma_wait3A_78, %dma_wait3A_79] : memref<95x128xf32, #tpu.memory_space<hbm>> -> memref<95x128xf32, #tpu.memory_space<hbm>>
          tpu.wait_indirect_dma semaphore(%arg5 : memref<!tpu.dma_semaphore, #tpu.memory_space<semaphore_mem>>) src(%dma_wait3A_80 : memref<95x128xf32, #tpu.memory_space<hbm>>) dst(%dma_wait3A_74 : memref<128x128xf32, #tpu.memory_space<vmem>>)
          %dma_wait3A_81 = arith.constant 3 : i32
          %dma_wait3A_82 = arith.constant 384 : i32
          %dma_wait3A_83 = arith.constant 0 : i32
          %dma_wait3A_84 = tpu.memref_slice %run_scoped3A_1[%dma_wait3A_82, %dma_wait3A_83] : memref<512x128xf32, #tpu.memory_space<vmem>> -> memref<128x128xf32, #tpu.memory_space<vmem>>
          %dma_wait3A_85 = arith.constant 0 : i32
          %dma_wait3A_86 = tpu.memref_slice %run_scoped3A[%dma_wait3A_81, %dma_wait3A_85] : memref<8x128xi32, #tpu.memory_space<vmem>> -> memref<1x128xi32, #tpu.memory_space<vmem>>
          %dma_wait3A_87 = tpu.memref_squeeze %dma_wait3A_86 : memref<1x128xi32, #tpu.memory_space<vmem>> -> memref<128xi32, #tpu.memory_space<vmem>>
          %dma_wait3A_88 = arith.constant 0 : i32
          %dma_wait3A_89 = arith.constant 0 : i32
          %dma_wait3A_90 = tpu.memref_slice %arg2[%dma_wait3A_88, %dma_wait3A_89] : memref<95x128xf32, #tpu.memory_space<hbm>> -> memref<95x128xf32, #tpu.memory_space<hbm>>
          tpu.wait_indirect_dma semaphore(%arg5 : memref<!tpu.dma_semaphore, #tpu.memory_space<semaphore_mem>>) src(%dma_wait3A_90 : memref<95x128xf32, #tpu.memory_space<hbm>>) dst(%dma_wait3A_84 : memref<128x128xf32, #tpu.memory_space<vmem>>)
          %mul3A_91 = arith.constant 1024 : i32
          %mul3A_92 = arith.muli %add3A_10, %mul3A_91 : i32
          %add3A_93 = arith.constant 0 : i32
          %add3A_94 = arith.addi %mul3A_92, %add3A_93 : i32
          "tpu.region"() ({
            %run_scoped3A_179 = tpu.sem_alloc : memref<!tpu.dma_semaphore, #tpu.memory_space<semaphore_mem>>
            %dma_start3A_180 = arith.constant 0 : i32
            %dma_start3A_181 = tpu.memref_slice %arg4[%add3A_94, %dma_start3A_180] : memref<102400x128xf32, #tpu.memory_space<hbm>> -> memref<512x128xf32, #tpu.memory_space<hbm>>
            %dma_start3A_182 = arith.constant 0 : i32
            %dma_start3A_183 = tpu.memref_slice %arg4[%add3A_94, %dma_start3A_182] : memref<102400x128xf32, #tpu.memory_space<hbm>> -> memref<512x128xf32, #tpu.memory_space<hbm>>
            tpu.enqueue_dma source(%run_scoped3A_1 : memref<512x128xf32, #tpu.memory_space<vmem>>) target(%dma_start3A_183 : memref<512x128xf32, #tpu.memory_space<hbm>>) target_semaphore(%run_scoped3A_179 : memref<!tpu.dma_semaphore, #tpu.memory_space<semaphore_mem>>)
            %dma_wait3A_184 = arith.constant 0 : i32
            %dma_wait3A_185 = tpu.memref_slice %arg4[%add3A_94, %dma_wait3A_184] : memref<102400x128xf32, #tpu.memory_space<hbm>> -> memref<512x128xf32, #tpu.memory_space<hbm>>
            %dma_wait3A_186 = arith.constant 0 : i32
            %dma_wait3A_187 = tpu.memref_slice %arg4[%add3A_94, %dma_wait3A_186] : memref<102400x128xf32, #tpu.memory_space<hbm>> -> memref<512x128xf32, #tpu.memory_space<hbm>>
            tpu.wait_dma2 semaphore(%run_scoped3A_179 : memref<!tpu.dma_semaphore, #tpu.memory_space<semaphore_mem>>) src(%run_scoped3A_1 : memref<512x128xf32, #tpu.memory_space<vmem>>) dst(%dma_wait3A_187 : memref<512x128xf32, #tpu.memory_space<hbm>>)
            tpu.yield
          }) : () -> ()
          %dma_start3A_95 = arith.constant 4 : i32
          %dma_start3A_96 = arith.constant 0 : i32
          %dma_start3A_97 = arith.constant 0 : i32
          %dma_start3A_98 = tpu.memref_slice %run_scoped3A_1[%dma_start3A_96, %dma_start3A_97] : memref<512x128xf32, #tpu.memory_space<vmem>> -> memref<128x128xf32, #tpu.memory_space<vmem>>
          %dma_start3A_99 = arith.constant 0 : i32
          %dma_start3A_100 = tpu.memref_slice %run_scoped3A[%dma_start3A_95, %dma_start3A_99] : memref<8x128xi32, #tpu.memory_space<vmem>> -> memref<1x128xi32, #tpu.memory_space<vmem>>
          %dma_start3A_101 = tpu.memref_squeeze %dma_start3A_100 : memref<1x128xi32, #tpu.memory_space<vmem>> -> memref<128xi32, #tpu.memory_space<vmem>>
          %dma_start3A_102 = arith.constant 0 : i32
          %dma_start3A_103 = arith.constant 0 : i32
          %dma_start3A_104 = tpu.memref_slice %arg2[%dma_start3A_102, %dma_start3A_103] : memref<95x128xf32, #tpu.memory_space<hbm>> -> memref<95x128xf32, #tpu.memory_space<hbm>>
          tpu.enqueue_indirect_dma source(%dma_start3A_104 : memref<95x128xf32, #tpu.memory_space<hbm>>) target(%dma_start3A_98 : memref<128x128xf32, #tpu.memory_space<vmem>>) offsets(%dma_start3A_101 : memref<128xi32, #tpu.memory_space<vmem>>) semaphore(%arg5 : memref<!tpu.dma_semaphore, #tpu.memory_space<semaphore_mem>>)
          %dma_start3A_105 = arith.constant 5 : i32
          %dma_start3A_106 = arith.constant 128 : i32
          %dma_start3A_107 = arith.constant 0 : i32
          %dma_start3A_108 = tpu.memref_slice %run_scoped3A_1[%dma_start3A_106, %dma_start3A_107] : memref<512x128xf32, #tpu.memory_space<vmem>> -> memref<128x128xf32, #tpu.memory_space<vmem>>
          %dma_start3A_109 = arith.constant 0 : i32
          %dma_start3A_110 = tpu.memref_slice %run_scoped3A[%dma_start3A_105, %dma_start3A_109] : memref<8x128xi32, #tpu.memory_space<vmem>> -> memref<1x128xi32, #tpu.memory_space<vmem>>
          %dma_start3A_111 = tpu.memref_squeeze %dma_start3A_110 : memref<1x128xi32, #tpu.memory_space<vmem>> -> memref<128xi32, #tpu.memory_space<vmem>>
          %dma_start3A_112 = arith.constant 0 : i32
          %dma_start3A_113 = arith.constant 0 : i32
          %dma_start3A_114 = tpu.memref_slice %arg2[%dma_start3A_112, %dma_start3A_113] : memref<95x128xf32, #tpu.memory_space<hbm>> -> memref<95x128xf32, #tpu.memory_space<hbm>>
          tpu.enqueue_indirect_dma source(%dma_start3A_114 : memref<95x128xf32, #tpu.memory_space<hbm>>) target(%dma_start3A_108 : memref<128x128xf32, #tpu.memory_space<vmem>>) offsets(%dma_start3A_111 : memref<128xi32, #tpu.memory_space<vmem>>) semaphore(%arg5 : memref<!tpu.dma_semaphore, #tpu.memory_space<semaphore_mem>>)
          %dma_start3A_115 = arith.constant 6 : i32
          %dma_start3A_116 = arith.constant 256 : i32
          %dma_start3A_117 = arith.constant 0 : i32
          %dma_start3A_118 = tpu.memref_slice %run_scoped3A_1[%dma_start3A_116, %dma_start3A_117] : memref<512x128xf32, #tpu.memory_space<vmem>> -> memref<128x128xf32, #tpu.memory_space<vmem>>
          %dma_start3A_119 = arith.constant 0 : i32
          %dma_start3A_120 = tpu.memref_slice %run_scoped3A[%dma_start3A_115, %dma_start3A_119] : memref<8x128xi32, #tpu.memory_space<vmem>> -> memref<1x128xi32, #tpu.memory_space<vmem>>
          %dma_start3A_121 = tpu.memref_squeeze %dma_start3A_120 : memref<1x128xi32, #tpu.memory_space<vmem>> -> memref<128xi32, #tpu.memory_space<vmem>>
          %dma_start3A_122 = arith.constant 0 : i32
          %dma_start3A_123 = arith.constant 0 : i32
          %dma_start3A_124 = tpu.memref_slice %arg2[%dma_start3A_122, %dma_start3A_123] : memref<95x128xf32, #tpu.memory_space<hbm>> -> memref<95x128xf32, #tpu.memory_space<hbm>>
          tpu.enqueue_indirect_dma source(%dma_start3A_124 : memref<95x128xf32, #tpu.memory_space<hbm>>) target(%dma_start3A_118 : memref<128x128xf32, #tpu.memory_space<vmem>>) offsets(%dma_start3A_121 : memref<128xi32, #tpu.memory_space<vmem>>) semaphore(%arg5 : memref<!tpu.dma_semaphore, #tpu.memory_space<semaphore_mem>>)
          %dma_start3A_125 = arith.constant 7 : i32
          %dma_start3A_126 = arith.constant 384 : i32
          %dma_start3A_127 = arith.constant 0 : i32
          %dma_start3A_128 = tpu.memref_slice %run_scoped3A_1[%dma_start3A_126, %dma_start3A_127] : memref<512x128xf32, #tpu.memory_space<vmem>> -> memref<128x128xf32, #tpu.memory_space<vmem>>
          %dma_start3A_129 = arith.constant 0 : i32
          %dma_start3A_130 = tpu.memref_slice %run_scoped3A[%dma_start3A_125, %dma_start3A_129] : memref<8x128xi32, #tpu.memory_space<vmem>> -> memref<1x128xi32, #tpu.memory_space<vmem>>
          %dma_start3A_131 = tpu.memref_squeeze %dma_start3A_130 : memref<1x128xi32, #tpu.memory_space<vmem>> -> memref<128xi32, #tpu.memory_space<vmem>>
          %dma_start3A_132 = arith.constant 0 : i32
          %dma_start3A_133 = arith.constant 0 : i32
          %dma_start3A_134 = tpu.memref_slice %arg2[%dma_start3A_132, %dma_start3A_133] : memref<95x128xf32, #tpu.memory_space<hbm>> -> memref<95x128xf32, #tpu.memory_space<hbm>>
          tpu.enqueue_indirect_dma source(%dma_start3A_134 : memref<95x128xf32, #tpu.memory_space<hbm>>) target(%dma_start3A_128 : memref<128x128xf32, #tpu.memory_space<vmem>>) offsets(%dma_start3A_131 : memref<128xi32, #tpu.memory_space<vmem>>) semaphore(%arg5 : memref<!tpu.dma_semaphore, #tpu.memory_space<semaphore_mem>>)
          %dma_wait3A_135 = arith.constant 4 : i32
          %dma_wait3A_136 = arith.constant 0 : i32
          %dma_wait3A_137 = arith.constant 0 : i32
          %dma_wait3A_138 = tpu.memref_slice %run_scoped3A_1[%dma_wait3A_136, %dma_wait3A_137] : memref<512x128xf32, #tpu.memory_space<vmem>> -> memref<128x128xf32, #tpu.memory_space<vmem>>
          %dma_wait3A_139 = arith.constant 0 : i32
          %dma_wait3A_140 = tpu.memref_slice %run_scoped3A[%dma_wait3A_135, %dma_wait3A_139] : memref<8x128xi32, #tpu.memory_space<vmem>> -> memref<1x128xi32, #tpu.memory_space<vmem>>
          %dma_wait3A_141 = tpu.memref_squeeze %dma_wait3A_140 : memref<1x128xi32, #tpu.memory_space<vmem>> -> memref<128xi32, #tpu.memory_space<vmem>>
          %dma_wait3A_142 = arith.constant 0 : i32
          %dma_wait3A_143 = arith.constant 0 : i32
          %dma_wait3A_144 = tpu.memref_slice %arg2[%dma_wait3A_142, %dma_wait3A_143] : memref<95x128xf32, #tpu.memory_space<hbm>> -> memref<95x128xf32, #tpu.memory_space<hbm>>
          tpu.wait_indirect_dma semaphore(%arg5 : memref<!tpu.dma_semaphore, #tpu.memory_space<semaphore_mem>>) src(%dma_wait3A_144 : memref<95x128xf32, #tpu.memory_space<hbm>>) dst(%dma_wait3A_138 : memref<128x128xf32, #tpu.memory_space<vmem>>)
          %dma_wait3A_145 = arith.constant 5 : i32
          %dma_wait3A_146 = arith.constant 128 : i32
          %dma_wait3A_147 = arith.constant 0 : i32
          %dma_wait3A_148 = tpu.memref_slice %run_scoped3A_1[%dma_wait3A_146, %dma_wait3A_147] : memref<512x128xf32, #tpu.memory_space<vmem>> -> memref<128x128xf32, #tpu.memory_space<vmem>>
          %dma_wait3A_149 = arith.constant 0 : i32
          %dma_wait3A_150 = tpu.memref_slice %run_scoped3A[%dma_wait3A_145, %dma_wait3A_149] : memref<8x128xi32, #tpu.memory_space<vmem>> -> memref<1x128xi32, #tpu.memory_space<vmem>>
          %dma_wait3A_151 = tpu.memref_squeeze %dma_wait3A_150 : memref<1x128xi32, #tpu.memory_space<vmem>> -> memref<128xi32, #tpu.memory_space<vmem>>
          %dma_wait3A_152 = arith.constant 0 : i32
          %dma_wait3A_153 = arith.constant 0 : i32
          %dma_wait3A_154 = tpu.memref_slice %arg2[%dma_wait3A_152, %dma_wait3A_153] : memref<95x128xf32, #tpu.memory_space<hbm>> -> memref<95x128xf32, #tpu.memory_space<hbm>>
          tpu.wait_indirect_dma semaphore(%arg5 : memref<!tpu.dma_semaphore, #tpu.memory_space<semaphore_mem>>) src(%dma_wait3A_154 : memref<95x128xf32, #tpu.memory_space<hbm>>) dst(%dma_wait3A_148 : memref<128x128xf32, #tpu.memory_space<vmem>>)
          %dma_wait3A_155 = arith.constant 6 : i32
          %dma_wait3A_156 = arith.constant 256 : i32
          %dma_wait3A_157 = arith.constant 0 : i32
          %dma_wait3A_158 = tpu.memref_slice %run_scoped3A_1[%dma_wait3A_156, %dma_wait3A_157] : memref<512x128xf32, #tpu.memory_space<vmem>> -> memref<128x128xf32, #tpu.memory_space<vmem>>
          %dma_wait3A_159 = arith.constant 0 : i32
          %dma_wait3A_160 = tpu.memref_slice %run_scoped3A[%dma_wait3A_155, %dma_wait3A_159] : memref<8x128xi32, #tpu.memory_space<vmem>> -> memref<1x128xi32, #tpu.memory_space<vmem>>
          %dma_wait3A_161 = tpu.memref_squeeze %dma_wait3A_160 : memref<1x128xi32, #tpu.memory_space<vmem>> -> memref<128xi32, #tpu.memory_space<vmem>>
          %dma_wait3A_162 = arith.constant 0 : i32
          %dma_wait3A_163 = arith.constant 0 : i32
          %dma_wait3A_164 = tpu.memref_slice %arg2[%dma_wait3A_162, %dma_wait3A_163] : memref<95x128xf32, #tpu.memory_space<hbm>> -> memref<95x128xf32, #tpu.memory_space<hbm>>
          tpu.wait_indirect_dma semaphore(%arg5 : memref<!tpu.dma_semaphore, #tpu.memory_space<semaphore_mem>>) src(%dma_wait3A_164 : memref<95x128xf32, #tpu.memory_space<hbm>>) dst(%dma_wait3A_158 : memref<128x128xf32, #tpu.memory_space<vmem>>)
          %dma_wait3A_165 = arith.constant 7 : i32
          %dma_wait3A_166 = arith.constant 384 : i32
          %dma_wait3A_167 = arith.constant 0 : i32
          %dma_wait3A_168 = tpu.memref_slice %run_scoped3A_1[%dma_wait3A_166, %dma_wait3A_167] : memref<512x128xf32, #tpu.memory_space<vmem>> -> memref<128x128xf32, #tpu.memory_space<vmem>>
          %dma_wait3A_169 = arith.constant 0 : i32
          %dma_wait3A_170 = tpu.memref_slice %run_scoped3A[%dma_wait3A_165, %dma_wait3A_169] : memref<8x128xi32, #tpu.memory_space<vmem>> -> memref<1x128xi32, #tpu.memory_space<vmem>>
          %dma_wait3A_171 = tpu.memref_squeeze %dma_wait3A_170 : memref<1x128xi32, #tpu.memory_space<vmem>> -> memref<128xi32, #tpu.memory_space<vmem>>
          %dma_wait3A_172 = arith.constant 0 : i32
          %dma_wait3A_173 = arith.constant 0 : i32
          %dma_wait3A_174 = tpu.memref_slice %arg2[%dma_wait3A_172, %dma_wait3A_173] : memref<95x128xf32, #tpu.memory_space<hbm>> -> memref<95x128xf32, #tpu.memory_space<hbm>>
          tpu.wait_indirect_dma semaphore(%arg5 : memref<!tpu.dma_semaphore, #tpu.memory_space<semaphore_mem>>) src(%dma_wait3A_174 : memref<95x128xf32, #tpu.memory_space<hbm>>) dst(%dma_wait3A_168 : memref<128x128xf32, #tpu.memory_space<vmem>>)
          %mul3A_175 = arith.constant 1024 : i32
          %mul3A_176 = arith.muli %add3A_10, %mul3A_175 : i32
          %add3A_177 = arith.constant 512 : i32
          %add3A_178 = arith.addi %mul3A_176, %add3A_177 : i32
          "tpu.region"() ({
            %run_scoped3A_179 = tpu.sem_alloc : memref<!tpu.dma_semaphore, #tpu.memory_space<semaphore_mem>>
            %dma_start3A_180 = arith.constant 0 : i32
            %dma_start3A_181 = tpu.memref_slice %arg4[%add3A_178, %dma_start3A_180] : memref<102400x128xf32, #tpu.memory_space<hbm>> -> memref<512x128xf32, #tpu.memory_space<hbm>>
            %dma_start3A_182 = arith.constant 0 : i32
            %dma_start3A_183 = tpu.memref_slice %arg4[%add3A_178, %dma_start3A_182] : memref<102400x128xf32, #tpu.memory_space<hbm>> -> memref<512x128xf32, #tpu.memory_space<hbm>>
            tpu.enqueue_dma source(%run_scoped3A_1 : memref<512x128xf32, #tpu.memory_space<vmem>>) target(%dma_start3A_183 : memref<512x128xf32, #tpu.memory_space<hbm>>) target_semaphore(%run_scoped3A_179 : memref<!tpu.dma_semaphore, #tpu.memory_space<semaphore_mem>>)
            %dma_wait3A_184 = arith.constant 0 : i32
            %dma_wait3A_185 = tpu.memref_slice %arg4[%add3A_178, %dma_wait3A_184] : memref<102400x128xf32, #tpu.memory_space<hbm>> -> memref<512x128xf32, #tpu.memory_space<hbm>>
            %dma_wait3A_186 = arith.constant 0 : i32
            %dma_wait3A_187 = tpu.memref_slice %arg4[%add3A_178, %dma_wait3A_186] : memref<102400x128xf32, #tpu.memory_space<hbm>> -> memref<512x128xf32, #tpu.memory_space<hbm>>
            tpu.wait_dma2 semaphore(%run_scoped3A_179 : memref<!tpu.dma_semaphore, #tpu.memory_space<semaphore_mem>>) src(%run_scoped3A_1 : memref<512x128xf32, #tpu.memory_space<vmem>>) dst(%dma_wait3A_187 : memref<512x128xf32, #tpu.memory_space<hbm>>)
            tpu.yield
          }) : () -> ()
        } else {
        }
      }
      %scan3A_6 = arith.constant 4 : i32
      tpu.yield
    }) : () -> ()
    return
  }
}

module attributes {stable_mosaic.version = 14 : i64} {
  func.func @_rbf_body(%arg0: i32, %arg1: memref<1x12800xf32, #tpu.memory_space<vmem>>, %arg2: memref<1x32xf32, #tpu.memory_space<vmem>>, %arg3: memref<1x12800xf32, #tpu.memory_space<vmem>>, %arg4: memref<12800x32xf32, #tpu.memory_space<vmem>>) attributes {dimension_semantics = [#tpu.dimension_semantics<arbitrary>], iteration_bounds = array<i64: 125>, scalar_prefetch = 0 : i64, scratch_operands = 0 : i64, tpu.core_type = #tpu.core_type<tc>, window_params = [{transform_indices = @transform_0, window_bounds = array<i64: 1, 12800>}, {pipeline_mode = #tpu.pipeline_mode<synchronous>, transform_indices = @transform_1, window_bounds = array<i64: 1, 32>}, {transform_indices = @transform_2, window_bounds = array<i64: 1, 12800>}, {transform_indices = @transform_3, window_bounds = array<i64: 12800, 32>}]} {
    %get3A = arith.constant 0 : index
    %get3A_0 = arith.constant 0 : index
    %get3A_1 = vector.load %arg1[%get3A, %get3A_0] : memref<1x12800xf32, #tpu.memory_space<vmem>>, vector<1x12800xf32>
    %add3A = arith.constant 9.99999996E-13 : f32
    %add3A_2 = vector.broadcast %add3A : f32 to vector<1x12800xf32>
    %add3A_3 = arith.addf %get3A_1, %add3A_2 : vector<1x12800xf32>
    %sqrt3A = math.sqrt %add3A_3 : vector<1x12800xf32>
    %swap3A = arith.constant 0 : index
    %swap3A_4 = arith.constant 0 : index
    %swap3A_5 = vector.load %arg3[%swap3A, %swap3A_4] : memref<1x12800xf32, #tpu.memory_space<vmem>>, vector<1x12800xf32>
    tpu.vector_store %arg3[%swap3A, %swap3A_4], %sqrt3A {strides = array<i32>} : memref<1x12800xf32, #tpu.memory_space<vmem>>, vector<1x12800xf32>,
    %mul3A = arith.constant 1.250000e-01 : f32
    %mul3A_6 = vector.broadcast %mul3A : f32 to vector<1x12800xf32>
    %mul3A_7 = arith.mulf %sqrt3A, %mul3A_6 : vector<1x12800xf32>
    %mul3A_8 = arith.mulf %mul3A_7, %mul3A_7 : vector<1x12800xf32>
    %mul3A_9 = arith.mulf %mul3A_8, %mul3A_7 : vector<1x12800xf32>
    %mul3A_10 = arith.mulf %mul3A_8, %mul3A_8 : vector<1x12800xf32>
    %mul3A_11 = arith.mulf %mul3A_10, %mul3A_7 : vector<1x12800xf32>
    %mul3A_12 = arith.constant 6.000000e+00 : f32
    %mul3A_13 = vector.broadcast %mul3A_12 : f32 to vector<1x12800xf32>
    %mul3A_14 = arith.mulf %mul3A_13, %mul3A_11 : vector<1x12800xf32>
    %sub3A = arith.constant 1.000000e+00 : f32
    %sub3A_15 = vector.broadcast %sub3A : f32 to vector<1x12800xf32>
    %sub3A_16 = arith.subf %sub3A_15, %mul3A_14 : vector<1x12800xf32>
    %mul3A_17 = arith.constant 1.500000e+01 : f32
    %mul3A_18 = vector.broadcast %mul3A_17 : f32 to vector<1x12800xf32>
    %mul3A_19 = arith.mulf %mul3A_18, %mul3A_10 : vector<1x12800xf32>
    %add3A_20 = arith.addf %sub3A_16, %mul3A_19 : vector<1x12800xf32>
    %mul3A_21 = arith.constant 1.000000e+01 : f32
    %mul3A_22 = vector.broadcast %mul3A_21 : f32 to vector<1x12800xf32>
    %mul3A_23 = arith.mulf %mul3A_22, %mul3A_9 : vector<1x12800xf32>
    %sub3A_24 = arith.subf %add3A_20, %mul3A_23 : vector<1x12800xf32>
    %lt3A = arith.constant 8.000000e+00 : f32
    %lt3A_25 = vector.broadcast %lt3A : f32 to vector<1x12800xf32>
    %lt3A_26 = arith.cmpf olt, %sqrt3A, %lt3A_25 : vector<1x12800xf32>
    %jit3A = arith.constant 0.000000e+00 : f32
    %broadcast_in_dim3A = vector.broadcast %jit3A : f32 to vector<1x12800xf32>
    %select_n3A = arith.select %lt3A_26, %sub3A_24, %broadcast_in_dim3A : vector<1x12800xi1>, vector<1x12800xf32>
    %neg3A = arith.constant 0.000000e+00 : f32
    %neg3A_27 = vector.broadcast %neg3A : f32 to vector<1x12800xf32>
    %neg3A_28 = arith.subf %neg3A_27, %sqrt3A : vector<1x12800xf32>
    %exp3A = math.exp %neg3A_28 : vector<1x12800xf32>
    %convert_element_type3A = arith.truncf %exp3A : vector<1x12800xf32> to vector<1x12800xbf16>
    %convert_element_type3A_29 = arith.extf %convert_element_type3A : vector<1x12800xbf16> to vector<1x12800xf32>
    %sub3A_30 = arith.subf %exp3A, %convert_element_type3A_29 : vector<1x12800xf32>
    %broadcast_in_dim3A_31 = arith.constant 1.000000e+00 : f32
    %broadcast_in_dim3A_32 = vector.broadcast %broadcast_in_dim3A_31 : f32 to vector<1x32xf32>
    %dot_general3A = arith.constant dense<0.000000e+00> : vector<12800x32xf32>
    %dot_general3A_33 = tpu.matmul %convert_element_type3A_29, %broadcast_in_dim3A_32, %dot_general3A {dimension_numbers = #tpu.dot_dimension_numbers<[0], [0], [1], [1], [0, 1, 1, 1], [], []>, transpose_lhs_hint = false} : vector<1x12800xf32>, vector<1x32xf32>, vector<12800x32xf32> -> vector<12800x32xf32>
    %dot_general3A_34 = arith.constant dense<0.000000e+00> : vector<12800x32xf32>
    %dot_general3A_35 = tpu.matmul %sub3A_30, %broadcast_in_dim3A_32, %dot_general3A_34 {dimension_numbers = #tpu.dot_dimension_numbers<[0], [0], [1], [1], [0, 1, 1, 1], [], []>, transpose_lhs_hint = false} : vector<1x12800xf32>, vector<1x32xf32>, vector<12800x32xf32> -> vector<12800x32xf32>
    %add3A_36 = arith.addf %dot_general3A_33, %dot_general3A_35 : vector<12800x32xf32>
    %dot_general3A_37 = arith.constant dense<0.000000e+00> : vector<12800x32xf32>
    %dot_general3A_38 = tpu.matmul %select_n3A, %broadcast_in_dim3A_32, %dot_general3A_37 {dimension_numbers = #tpu.dot_dimension_numbers<[0], [0], [1], [1], [0, 1, 1, 1], [], []>, transpose_lhs_hint = false} : vector<1x12800xf32>, vector<1x32xf32>, vector<12800x32xf32> -> vector<12800x32xf32>
    %get3A_39 = arith.constant 0 : index
    %get3A_40 = arith.constant 0 : index
    %get3A_41 = vector.load %arg2[%get3A_39, %get3A_40] : memref<1x32xf32, #tpu.memory_space<vmem>>, vector<1x32xf32>
    %sub3A_42 = vector.broadcast %get3A_41 : vector<1x32xf32> to vector<12800x32xf32>
    %sub3A_43 = arith.subf %add3A_36, %sub3A_42 : vector<12800x32xf32>
    %mul3A_44 = arith.mulf %sub3A_43, %sub3A_43 : vector<12800x32xf32>
    %mul3A_45 = arith.constant -256.171844 : f32
    %mul3A_46 = vector.broadcast %mul3A_45 : f32 to vector<12800x32xf32>
    %mul3A_47 = arith.mulf %mul3A_46, %mul3A_44 : vector<12800x32xf32>
    %exp3A_48 = math.exp %mul3A_47 : vector<12800x32xf32>
    %mul3A_49 = arith.mulf %dot_general3A_38, %exp3A_48 : vector<12800x32xf32>
    %swap3A_50 = arith.constant 0 : index
    %swap3A_51 = arith.constant 0 : index
    %swap3A_52 = vector.load %arg4[%swap3A_50, %swap3A_51] : memref<12800x32xf32, #tpu.memory_space<vmem>>, vector<12800x32xf32>
    tpu.vector_store %arg4[%swap3A_50, %swap3A_51], %mul3A_49 {strides = array<i32>} : memref<12800x32xf32, #tpu.memory_space<vmem>>, vector<12800x32xf32>,
    return
  }
  func.func @transform_0(%arg0: i32) -> (i32, i32) {
    %c0_i32 = arith.constant 0 : i32
    %c0_i32_0 = arith.constant 0 : i32
    return %c0_i32, %arg0 : i32, i32
  }
  func.func @transform_1(%arg0: i32) -> (i32, i32) {
    %c0_i32 = arith.constant 0 : i32
    %c0_i32_0 = arith.constant 0 : i32
    %c0_i32_1 = arith.constant 0 : i32
    return %c0_i32, %c0_i32_0 : i32, i32
  }
  func.func @transform_2(%arg0: i32) -> (i32, i32) {
    %c0_i32 = arith.constant 0 : i32
    %c0_i32_0 = arith.constant 0 : i32
    return %c0_i32, %arg0 : i32, i32
  }
  func.func @transform_3(%arg0: i32) -> (i32, i32) {
    %c0_i32 = arith.constant 0 : i32
    %c0_i32_0 = arith.constant 0 : i32
    return %arg0, %c0_i32 : i32, i32
  }
}

</mosaic_0001>

<sc_bundles>
// kernel: kernel.5.cloned.1.call-start
scs
__scs_entry_jumppad:
0x0: {  	(pc) =	sbr.rel $0x88, $3  }
0x1: {  	(tag) =	ssettag $0x0;
	lr =	simm.s32 $0x1  }
0x2: {  	[smem:$0x3F9C] =	sst lr;
	_ =	strace $0xD0000000  }
0x3: {  	_ = 	snop  }
0x4: {  	_ = 	snop  }
0x5: {  	_ = 	snop  }
0x6: {  	_ = 	snop  }
0x7: {  	_ = 	snop  }
__scs_overlays_trampoline_lowered:
0x8: {  	[smem:$0x3FAB] =	sst s0  }
0x9: {  	[smem:$0x3FAC] =	sst s1  }
0xa: {  	[smem:$0x3FAD] =	sst s2  }
0xb: {  	[smem:$0x3FAE] =	sst s3  }
0xc: {  	[smem:$0x3FAF] =	sst s4  }
0xd: {  	[smem:$0x3FB0] =	sst s5  }
0xe: {  	[smem:$0x3FB1] =	sst s6  }
0xf: {  	[smem:$0x3FB2] =	sst s7  }
0x10: {  	[smem:$0x3FB3] =	sst s8  }
0x11: {  	[smem:$0x3FB4] =	sst s9;
	s0 =	simm.s32 @!p0 $0x0  }
0x12: {  	s1 =	sld [smem:$0x3F9A];
	s0 =	simm.s32 @p0 $0x1  }
0x13: {  	[smem:$0x3FB5] =	sst s0;
	s0 =	simm.s32 @!p1 $0x0  }
0x14: {  	s2 =	sld [smem:$0x3F99];
	s0 =	simm.s32 @p1 $0x1  }
0x15: {  	[smem:$0x3FB6] =	sst s0;
	s0 =	simm.s32 @!p2 $0x0  }
0x16: {  	s3 =	sld [smem:$0x3FDB];
	s0 =	simm.s32 @p2 $0x1  }
0x17: {  	s4 =	simm.s32 $0x1BF5;
	[smem:$0x3FB8] =	sst s0  }
0x18: {  	s0 =	sld [smem:$0x3F9B];
	_ =	swait.ge [sflag:s4], $0x0  }
0x19: {  	s7 =	sld [smem:$0x3F9C]  }
0x1a: {  	s8 =	sadd.s32 $0xFFFFE003, lr  }
0x1b: {  	s9 =	sadd.s32 $0xFFFFFEF7, lr;
	s5 =	simm.s32 $0xFFFFFFFF;
	p2 =	slt.u32 s8, $0xFFFFF086  }
0x1c: {  	p1 =	slt.u32 s9, $0xF7A;
	s5 =	simm.s32 @!p2 $0x0  }
0x1d: {  	s5 =	simm.s32 @p1 $0x1;
	p0 =	seq.s32 s7, s2  }
0x1e: {  	s7 =	smul.u32 @!p0 $0xF7A, s2;
	p2 =	seq.s32 @!p0 s5, $0x0  }
0x1f: {  	s9 =	smul.u32 $0xF7A, s1;
	s8 =	simm.s32 @!p0 $0x1BF5;
	p2 =	por !p2, p0  }
0x20: {  	[sflag:s8] =	ssyncset.s32 @!p0 $0xFFFFF086;
	s6 =	sadd.s32 @!p0 s3, s7;
	s7 =	simm.s32 @!p0 $0x108  }
0x21: {  	s3 =	sadd.s32 s3, s9;
	s6 =	sadd.s32 @!p0 $0x88, s6;
	s7 =	simm.s32 @p2 $0x1082  }
0x22: {  	[simem:s7], [sflag:s8] =	dma.local @!p0 [hbm:s6], $0xF7A  }
0x23: {  	s9 =	sor.u32 $0xD0000000, s2;
	s6 =	simm.s32 $0x108;
	_ =	swait.ge @!p0 [sflag:s8], $0x0  }
0x24: {  	s3 =	sadd.s32 $0x88, s3;
	s6 =	simm.s32 @!p1 $0x1082;
	[sflag:s4] =	ssyncset.s32 $0xFFFFF086  }
0x25: {  	[simem:s6], [sflag:s4] =	dma.local [hbm:s3], $0xF7A  }
0x26: {  	[smem:$0x3F9C] =	sst s1;
	(tag) =	ssettag s2;
	_ =	strace s9  }
0x27: {  	s1 =	sld [smem:$0x3FAC]  }
0x28: {  	s2 =	sld [smem:$0x3FAD]  }
0x29: {  	s4 =	sld [smem:$0x3FAF]  }
0x2a: {  	p0 =	seq.s32 s5, $0x0;
	s5 =	sld [smem:$0x3FB0]  }
0x2b: {  	s6 =	sld [smem:$0x3FB1]  }
0x2c: {  	s7 =	sld [smem:$0x3FB2]  }
0x2d: {  	s3 =	simm.s32 $0x108;
	s8 =	sld [smem:$0x3FB3]  }
0x2e: {  	s3 =	simm.s32 @!p0 $0x1082;
	s9 =	sld [smem:$0x3FB4]  }
0x2f: {  	lr =	sadd.s32 s0, s3;
	s0 =	sld [smem:$0x3FAB]  }
0x30: {  	s3 =	sld [smem:$0x3FAE]  }
0x31: {  	[smem:$0x3FB7] =	sst s10  }
0x32: {  	s10 =	sld [smem:$0x3FB5];
	_ =	sdelay $0x3  }
0x33: {  	p0 =	seq.s32 s10, $0x1;
	s10 =	sld [smem:$0x3FB7];
	_ =	sdelay $0x3  }
0x34: {  	[smem:$0x3FB7] =	sst s10  }
0x35: {  	s10 =	sld [smem:$0x3FB6];
	_ =	sdelay $0x3  }
0x36: {  	p1 =	seq.s32 s10, $0x1;
	s10 =	sld [smem:$0x3FB7];
	_ =	sdelay $0x3  }
0x37: {  	[smem:$0x3FB7] =	sst s10  }
0x38: {  	s10 =	sld [smem:$0x3FB8]  }
0x39: {  	_ = 	snop;
	(pc) =	sbr.ind lr, $3  }
0x3a: {  	_ = 	snop  }
0x3b: {  	_ = 	snop  }
0x3c: {  	p2 =	seq.s32 s10, $0x1;
	s10 =	sld [smem:$0x3FB7]  }
0x3d: {  	_ =	shalt  }
0x3e: {  	_ =	shalt  }
0x3f: {  	_ =	shalt  }
0x40: {  	_ =	shalt  }
0x41: {  	_ =	shalt  }
0x42: {  	_ =	shalt  }
0x43: {  	_ =	shalt  }
0x44: {  	_ =	shalt  }
0x45: {  	_ =	shalt  }
0x46: {  	_ =	shalt  }
0x47: {  	_ =	shalt  }
0x48: {  	_ =	shalt  }
0x49: {  	_ =	shalt  }
0x4a: {  	_ =	shalt  }
0x4b: {  	_ =	shalt  }
0x4c: {  	_ =	shalt  }
0x4d: {  	_ =	shalt  }
0x4e: {  	_ =	shalt  }
0x4f: {  	_ =	shalt  }
0x50: {  	_ =	shalt  }
0x51: {  	_ =	shalt  }
0x52: {  	_ =	shalt  }
0x53: {  	_ =	shalt  }
0x54: {  	_ =	shalt  }
0x55: {  	_ =	shalt  }
0x56: {  	_ =	shalt  }
0x57: {  	_ =	shalt  }
0x58: {  	_ =	shalt  }
0x59: {  	_ =	shalt  }
0x5a: {  	_ =	shalt  }
0x5b: {  	_ =	shalt  }
0x5c: {  	_ =	shalt  }
0x5d: {  	_ =	shalt  }
0x5e: {  	_ =	shalt  }
0x5f: {  	_ =	shalt  }
0x60: {  	_ =	shalt  }
0x61: {  	_ =	shalt  }
0x62: {  	_ =	shalt  }
0x63: {  	_ =	shalt  }
0x64: {  	_ =	shalt  }
0x65: {  	_ =	shalt  }
0x66: {  	_ =	shalt  }
0x67: {  	_ =	shalt  }
0x68: {  	_ =	shalt  }
0x69: {  	_ =	shalt  }
0x6a: {  	_ =	shalt  }
0x6b: {  	_ =	shalt  }
0x6c: {  	_ =	shalt  }
0x6d: {  	_ =	shalt  }
0x6e: {  	_ =	shalt  }
0x6f: {  	_ =	shalt  }
0x70: {  	_ =	shalt  }
0x71: {  	_ =	shalt  }
0x72: {  	_ =	shalt  }
0x73: {  	_ =	shalt  }
0x74: {  	_ =	shalt  }
0x75: {  	_ =	shalt  }
0x76: {  	_ =	shalt  }
0x77: {  	_ =	shalt  }
0x78: {  	_ =	shalt  }
0x79: {  	_ =	shalt  }
0x7a: {  	_ =	shalt  }
0x7b: {  	_ =	shalt  }
0x7c: {  	_ =	shalt  }
0x7d: {  	_ =	shalt  }
0x7e: {  	_ =	shalt  }
0x7f: {  	_ =	shalt  }
0x80: {  	_ =	shalt  }
0x81: {  	_ =	shalt  }
0x82: {  	_ =	shalt  }
0x83: {  	_ =	shalt  }
0x84: {  	_ =	shalt  }
0x85: {  	_ =	shalt  }
0x86: {  	_ =	shalt  }
0x87: {  	_ =	shalt  }
.Lfunc_end0:
.L_simem_size_0:
called_computation_lowered:
.L_overlay_start_0:
0x88: {  	s2 =	sld [smem:$0x3FD9]  }
0x89: {  	s3 =	sld [smem:$0x3FFE];
	_ =	sdelay $0x1  }
0x8a: {  	s1 =	srdreg.scid  }
0x8b: {  	s0 =	sand.u32 $0x1, s1  }
0x8c: {  	s14 =	sshll.u32 s0, $0xA;
	s2 =	sadd.s32 s3, s2  }
0x8d: {  	s2 =	sadd.s32 s2, s14  }
0x8e: {  	[smem:$0x3FC3] =	sst s2  }
0x8f: {  	_ = 	snop  }
0x90: {  	s2 =	sld [smem:$0x3FD0];
	_ =	sdelay $0x2  }
0x91: {  	s15 =	simm.s32 $0xB;
	s4 =	simm.s32 $0x10  }
0x92: {  	[smem:s4], [sflag:s15] =	dma.local [hbm:s2], $0x1  }
0x93: {  	_ =	swait.eq [sflag:s15], $0x1  }
0x94: {  	s16 =	sld [smem:$0x10];
	[sflag:s15] =	ssyncset.done $0x0  }
0x95: {  	s17 =	sld [smem:$0x11];
	[sflag:s15] =	ssyncadd.s32 $0xFFFFFFFF  }
0x96: {  	s18 =	sld [smem:$0x12];
	(tm) =	ssettm $0x1  }
0x97: {  	s5 =	sld [smem:$0x3FFB];
	_ =	sdelay $0x3  }
0x98: {  	_ =	strace s5  }
0x99: {  	s5 =	sld [smem:$0x3FFC];
	_ =	sdelay $0x3  }
0x9a: {  	_ =	strace s5  }
0x9b: {  	s5 =	sld [smem:$0x3FFD];
	_ =	sdelay $0x3  }
0x9c: {  	_ =	strace s5  }
0x9d: {  	_ =	strace $0x8FFFFFFF  }
0x9e: {  	s19 =	sld [smem:$0x3FDB];
	_ =	sdelay $0x1  }
0x9f: {  	s6 =	simm.s32 $_scs_section_size  }
0xa0: {  	s7 =	simm.s32 $_size__tile_overlayer_lowered;
	s8 =	simm.s32 $_tile_overlayer_lowered  }
0xa1: {  	s22 =	simm.s32 $0x1BFF;
	s21 =	sshll.u32 s8, $0x1;
	s5 =	sadd.s32 s6, s19  }
0xa2: {  	s9 =	simm.s32 $0x0;
	s20 =	sshll.u32 s7, $0x1;
	s7 =	sadd.s32 s21, s5  }
0xa3: {  	[timem:s9], [sflag:s22] =	dma.local [hbm:s7], s20  }
0xa4: {  	_ =	swait.ge [sflag:s22], s20  }
0xa5: {  	s6 =	ssub.s32 $0x0, s20;
	[sflag:s22] =	ssyncset.done $0x0  }
0xa6: {  	[sflag:s22] =	ssyncadd.s32 s6;
	_ =	sdelay $0x1  }
0xa7: {  	s23 =	simm.s32 $0x1B8B  }
0xa8: {  	_ =	swait.ge [sflag:s23], $0x1  }
0xa9: {  	[sflag:s23] =	ssyncset.done $0x0  }
0xaa: {  	s25 =	simm.s32 $0x1B8E;
	s24 =	sld [smem:$0x3FFE];
	[sflag:s23] =	ssyncadd.s32 $0xFFFFFFFF  }
0xab: {  	s26 =	simm.s32 $execute0_lowered;
	[smem:$0x3FD2] =	sst s25  }
0xac: {  	s7 =	sshll.u32 s26, $0x1;
	_ =	strace $0x80000046;
	[dreg:$0x1] =	wrdreg $0xFFFFFFFF  }
0xad: {  	s28 =	simm.s32 $_size_execute0_lowered;
	s5 =	sadd.s32 s5, s7;
	[dreg:$0x0] =	wrdreg $0x0  }
0xae: {  	s7 =	sshll.u32 s28, $0x1;
	[dreg:$0x2] =	wrdreg s5  }
0xaf: {  	[dreg:$0x3] =	wrdreg s7  }
0xb0: {  	[dreg:$0x4] =	wrdreg $0xC0  }
0xb1: {  	_ =	task [dreg:s9], $0x5FFFF  }
0xb2: {  	[dreg:$0x1] =	wrdreg $0xFFFFFFFF  }
0xb3: {  	[dreg:$0x0] =	wrdreg $0x60  }
0xb4: {  	[dreg:$0x2] =	wrdreg s24  }
0xb5: {  	[dreg:$0x3] =	wrdreg s18  }
0xb6: {  	[dreg:$0x4] =	wrdreg s16  }
0xb7: {  	[dreg:$0x5] =	wrdreg s17  }
0xb8: {  	[dreg:$0x6] =	wrdreg $0x9  }
0xb9: {  	_ =	task.clear_ibuf [dreg:s9], $0x7FFFF;
	_ =	strace $0x90000046  }
0xba: {  	s29 =	simm.s32 $0x9;
	_ =	strace $0x80000048  }
0xbb: {  	_ =	swait.ge [sflag:s29], $0x1  }
0xbc: {  	[sflag:s29] =	ssyncadd.s32 $0xFFFFFFFF  }
0xbd: {  	_ =	strace $0x90000048  }
0xbe: {  	_ =	sfence  }
0xbf: {  	s30 =	sld [smem:$0x0];
	_ =	sdelay $0x2  }
0xc0: {  	s31 =	sshll.u32 s1, $0xD;
	s1 =	sshrl.u32 s1, $0x2  }
0xc1: {  	s3 =	sand.u32 $0x4000, s31;
	s1 =	sadd.s32 s1, s30  }
0xc2: {  	s0 =	sor.u32 s3, s0;
	s1 =	sshll.u32 s1, $0x11  }
0xc3: {  	s0 =	sor.u32 s1, s0  }
0xc4: {  	s0 =	sadd.s32 $0x8F2B, s0  }
0xc5: {  	[sflag:s0] =	ssyncadd.remote.s32 $0x1  }
0xc6: {  	_ =	sfence.sel $0xFFFF  }
0xc7: {  	[dreg:$0x0] =	wrdreg $0xFFFFFFFF;
	(pc) =	sbr.abs _section_cstart, $3  }
0xc8: {  	[dreg:$0x1] =	wrdreg $0xFFFFFFFF  }
0xc9: {  	_ =	task.clear_ibuf [dreg:s9], $0x2FFFF;
	_ =	strace $0x9FFFFFFF  }
0xca: {  	(tm) =	ssettm $0x7FFFFFFF  }
0xcb: {  	_ =	shalt  }
tec
execute0_lowered:
.L_overlay_start_1:
0x0: {  	(tag) =	ssettag $0x1  }
0x1: {  	s8 =	rddreg [dreg:$0x0]  }
0x2: {  	s1 =	rddreg [dreg:$0x1]  }
0x3: {  	s2 =	rddreg [dreg:$0x2]  }
0x4: {  	s3 =	rddreg [dreg:$0x3]  }
0x5: {  	s0 =	rddreg [dreg:$0x4]  }
0x6: {  	s4 =	simm.s32 $0x0;
	s5 =	srdreg.scid;
	s12 =	simm.s32 $0x18700  }
0x7: {  	s13 =	simm.s32 $0x19380;
	s14 =	simm.s32 $0x1;
	s15 =	simm.s32 $0x1A000  }
0x8: {  	s16 =	simm.s32 $0x0;
	[smem:$0x7FF] =	sst s4;
	s9 =	sand.u32 $0x1, s5  }
0x9: {  	s6 =	sadd.s32 $0x3A00, s8;
	s5 =	stileid.u32;
	s10 =	ssub.s32 $0x2, s9  }
0xa: {  	s7 =	sadd.s32 $0x800, s8;
	s8 =	sadd.s32 $0x6C00, s8;
	s11 =	sshrl.u32 s10, $0x1  }
0xb: {  	_ =	strace $0x80000047;
	s31 =	sshll.u32 s5, $0x1;
	s10 =	ssub.s32 s10, s11  }
0xc: {  	s9 =	sor.u32 s9, s31;
	s11 =	simm.s32 $0x2;
	s10 =	smax.u32 s10, $0x1  }
.LBB2_1:
0xd: {  	[tilespmem:s4], [sflag:$0x2] =	stream.linear.gather [hbm4b:s6+s4], $0x18700, $0x38;
	[tilespmem:$0x1AC80] =	vst v63  }
0xe: {  	_ =	swait.ge [sflag:s11], $0x18700  }
0xf: {  	[sflag:s11] =	ssyncset.done $0x0  }
0x10: {  	s17 =	simm.s32 $0x0;
	[sflag:s11] =	ssyncadd.s32 $0xFFFE7900  }
.LBB2_2:
0x11: {  	s18 =	sshll.u32 s17, $0x5  }
0x12: {  	s18 =	sor.u32 s9, s18  }
0x13: {  	s18 =	smul.u32 $0x190, s18;
	_ =	sdelay $0x1  }
0x14: {  	s19 =	sadd.s32 s2, s18  }
0x15: {  	[tilespmem:s12], [sflag:$0x1] =	stream.linear.gather [hbm4b:s19+s4], $0xC80, $0x38;
	[tilespmem:$0x1AC80] =	vst v63  }
0x16: {  	s31 =	sadd.s32 s3, s18  }
0x17: {  	[tilespmem:s13], [sflag:$0x1] =	stream.linear.gather [hbm4b:s31+s4], $0xC80, $0x38;
	[tilespmem:$0x1AC80] =	vst v63  }
0x18: {  	_ =	swait.ge [sflag:s14], $0xC80  }
0x19: {  	[sflag:s14] =	ssyncset.done $0x0  }
0x1a: {  	[sflag:s14] =	ssyncadd.s32 $0xFFFFF380  }
0x1b: {  	_ =	swait.ge [sflag:s14], $0xC80  }
0x1c: {  	[sflag:s14] =	ssyncset.done $0x0  }
0x1d: {  	s20 =	simm.s32 $0x18740;
	[sflag:s14] =	ssyncadd.s32 $0xFFFFF380  }
0x1e: {  	s19 =	simm.s32 $0x193C0;
	v0 =	vld [tilespmem:s20+$0x30]  }
0x1f: {  	v1 =	vld [tilespmem:s19+$0x30]  }
0x20: {  	v2 =	vld [tilespmem:s19+$0xFFFFFFC0]  }
0x21: {  	v3 =	vld [tilespmem:s20+$0xFFFFFFD0]  }
0x22: {  	v4 =	vld [tilespmem:s19+$0xFFFFFFD0]  }
0x23: {  	v5 =	vld [tilespmem:s20+$0xFFFFFFE0]  }
0x24: {  	v6 =	vld [tilespmem:s19+$0xFFFFFFE0]  }
0x25: {  	v7 =	vld [tilespmem:s20+$0xFFFFFFF0]  }
0x26: {  	v8 =	vld [tilespmem:s19+$0xFFFFFFF0]  }
0x27: {  	v9 =	vld [tilespmem:s20+$0x0]  }
0x28: {  	v10 =	vld [tilespmem:s19+$0x0]  }
0x29: {  	v11 =	vld [tilespmem:s20+$0x10]  }
0x2a: {  	v12 =	vld [tilespmem:s19+$0x10]  }
0x2b: {  	v13 =	vld [tilespmem:s20+$0x20]  }
0x2c: {  	v14 =	vld [tilespmem:s19+$0x20]  }
0x2d: {  	v15 =	vld [tilespmem:s20+$0xFFFFFFC0]  }
0x2e: {  	v0 =	vld.idx.msk [tilespmem:v0+s4+$0x0], $0xffff  }
0x2f: {  	v1 =	vld.idx.msk [tilespmem:v1+s4+$0x0], $0xffff  }
0x30: {  	v16 =	vld.idx.msk [tilespmem:v2+s4+$0x0], $0xffff  }
0x31: {  	v2 =	vld.idx.msk [tilespmem:v3+s4+$0x0], $0xffff  }
0x32: {  	v3 =	vld.idx.msk [tilespmem:v4+s4+$0x0], $0xffff  }
0x33: {  	v4 =	vld.idx.msk [tilespmem:v5+s4+$0x0], $0xffff  }
0x34: {  	v5 =	vld.idx.msk [tilespmem:v6+s4+$0x0], $0xffff  }
0x35: {  	v6 =	vld.idx.msk [tilespmem:v7+s4+$0x0], $0xffff  }
0x36: {  	v8 =	vld.idx.msk [tilespmem:v8+s4+$0x0], $0xffff  }
0x37: {  	v15 =	vld.idx.msk [tilespmem:v15+s4+$0x0], $0xffff;
	v0 =	vsub.f32 v1, v0  }
0x38: {  	v2 =	vsub.f32 v3, v2;
	v1 =	vld.idx.msk [tilespmem:v9+s4+$0x0], $0xffff  }
0x39: {  	v3 =	vld.idx.msk [tilespmem:v10+s4+$0x0], $0xffff;
	v7 =	vmul.f32 v0, v0  }
0x3a: {  	s20 =	simm.s32 $0x1A040;
	v5 =	vsub.f32 v5, v4;
	v4 =	vld.idx.msk [tilespmem:v12+s4+$0x0], $0xffff;
	v2 =	vmul.f32 v2, v2  }
0x3b: {  	v0 =	vld.idx.msk [tilespmem:v11+s4+$0x0], $0xffff;
	[tilespmem:s20+$0x30] =	vst v7  }
0x3c: {  	v8 =	vsub.f32 v8, v6;
	[tilespmem:s20+$0xFFFFFFD0] =	vst v2;
	v2 =	vld.idx.msk [tilespmem:v13+s4+$0x0], $0xffff;
	v7 =	vmul.f32 v5, v5  }
0x3d: {  	s21 =	simm.s32 $0x0;
	s22 =	simm.s32 $0x187C0;
	v6 =	vsub.f32 v16, v15;
	v5 =	vld.idx.msk [tilespmem:v14+s4+$0x0], $0xffff  }
.LBB2_3:
0x3e: {  	v9 =	vld [tilespmem:s22+$0x30];
	[tilespmem:s20+$0xFFFFFFE0] =	vst v7;
	v7 =	vmul.f32 v8, v8;
	s19 =	sadd.s32 $0x80, s19  }
0x3f: {  	s21 =	sadd.s32 $0x80, s21;
	v1 =	vsub.f32 v3, v1;
	v8 =	vld [tilespmem:s19+$0x30];
	v6 =	vmul.f32 v6, v6  }
0x40: {  	p0 =	slt.u32 s21, $0xC00;
	v3 =	vld [tilespmem:s19+$0xFFFFFFC0];
	[tilespmem:s20+$0xFFFFFFF0] =	vst v7  }
0x41: {  	v1 =	vmul.f32 v1, v1;
	v0 =	vsub.f32 v4, v0;
	v7 =	vld [tilespmem:s22+$0xFFFFFFD0];
	[tilespmem:s20+$0xFFFFFFC0] =	vst v6  }
0x42: {  	v4 =	vld [tilespmem:s19+$0xFFFFFFD0]  }
0x43: {  	v0 =	vmul.f32 v0, v0;
	v6 =	vld [tilespmem:s22+$0xFFFFFFE0];
	[tilespmem:s20+$0x0] =	vst v1;
	v1 =	vsub.f32 v5, v2  }
0x44: {  	v2 =	vld [tilespmem:s19+$0xFFFFFFE0]  }
0x45: {  	v5 =	vld [tilespmem:s22+$0xFFFFFFF0];
	[tilespmem:s20+$0x10] =	vst v0;
	v0 =	vmul.f32 v1, v1  }
0x46: {  	v1 =	vld.idx.msk [tilespmem:v9+s4+$0x0], $0xffff  }
0x47: {  	v8 =	vld.idx.msk [tilespmem:v8+s4+$0x0], $0xffff;
	[tilespmem:s20+$0x20] =	vst v0  }
0x48: {  	v0 =	vld [tilespmem:s19+$0xFFFFFFF0]  }
0x49: {  	v9 =	vld [tilespmem:s22+$0x0]  }
0x4a: {  	v10 =	vld [tilespmem:s19+$0x0]  }
0x4b: {  	v11 =	vld [tilespmem:s22+$0x10]  }
0x4c: {  	v12 =	vld [tilespmem:s19+$0x10]  }
0x4d: {  	v1 =	vsub.f32 v8, v1;
	v13 =	vld [tilespmem:s22+$0x20]  }
0x4e: {  	v14 =	vld [tilespmem:s19+$0x20]  }
0x4f: {  	v1 =	vmul.f32 v1, v1;
	v8 =	vld [tilespmem:s22+$0xFFFFFFC0]  }
0x50: {  	s20 =	sadd.s32 $0x80, s20;
	v15 =	vld.idx.msk [tilespmem:v3+s4+$0x0], $0xffff  }
0x51: {  	v3 =	vld.idx.msk [tilespmem:v7+s4+$0x0], $0xffff;
	[tilespmem:s20+$0x30] =	vst v1  }
0x52: {  	v1 =	vld.idx.msk [tilespmem:v4+s4+$0x0], $0xffff  }
0x53: {  	v4 =	vld.idx.msk [tilespmem:v6+s4+$0x0], $0xffff  }
0x54: {  	v2 =	vld.idx.msk [tilespmem:v2+s4+$0x0], $0xffff  }
0x55: {  	v5 =	vld.idx.msk [tilespmem:v5+s4+$0x0], $0xffff  }
0x56: {  	v6 =	vld.idx.msk [tilespmem:v0+s4+$0x0], $0xffff  }
0x57: {  	v16 =	vld.idx.msk [tilespmem:v8+s4+$0x0], $0xffff  }
0x58: {  	v0 =	vsub.f32 v1, v3;
	v1 =	vld.idx.msk [tilespmem:v9+s4+$0x0], $0xffff  }
.Ltmp0:
0x59: {  	v3 =	vld.idx.msk [tilespmem:v10+s4+$0x0], $0xffff;
	(pc) =	sbr.rel @p0 .LBB2_3-.Ltmp0, $4  }
0x5a: {  	v7 =	vmul.f32 v0, v0;
	v2 =	vsub.f32 v2, v4;
	v0 =	vld.idx.msk [tilespmem:v11+s4+$0x0], $0xffff  }
0x5b: {  	v4 =	vld.idx.msk [tilespmem:v12+s4+$0x0], $0xffff  }
0x5c: {  	v8 =	vsub.f32 v6, v5;
	[tilespmem:s20+$0xFFFFFFD0] =	vst v7;
	v7 =	vmul.f32 v2, v2;
	v2 =	vld.idx.msk [tilespmem:v13+s4+$0x0], $0xffff  }
0x5d: {  	s22 =	sadd.s32 $0x80, s22;
	v6 =	vsub.f32 v15, v16;
	v5 =	vld.idx.msk [tilespmem:v14+s4+$0x0], $0xffff  }
0x5e: {  	_ =	sdelay $0x1  }
0x5f: {  	v8 =	vmul.f32 v8, v8;
	v1 =	vsub.f32 v3, v1  }
0x60: {  	[tilespmem:s20+$0xFFFFFFE0] =	vst v7;
	v62 =	vmul.f32 v6, v6;
	v0 =	vsub.f32 v4, v0  }
0x61: {  	[tilespmem:s20+$0xFFFFFFF0] =	vst v8;
	v1 =	vmul.f32 v1, v1;
	v2 =	vsub.f32 v5, v2  }
0x62: {  	[tilespmem:s20+$0xFFFFFFC0] =	vst v62;
	v0 =	vmul.f32 v0, v0  }
0x63: {  	s17 =	sadd.s32 $0x1, s17;
	[tilespmem:s20+$0x0] =	vst v1;
	v63 =	vmul.f32 v2, v2  }
0x64: {  	p0 =	sne.s32 s17, $0x10;
	[tilespmem:s20+$0x10] =	vst v0  }
.Ltmp1:
0x65: {  	s18 =	sadd.s32 s8, s18;
	[tilespmem:s20+$0x20] =	vst v63;
	(pc) =	sbr.rel @p0 .LBB2_2-.Ltmp1, $4  }
0x66: {  	[hbm4b:s18+s4] =	stream.linear.scatter [tilespmem:s15], [sflag:$0x2], $0xC80, $0x38;
	[tilespmem:$0x1AC80] =	vst v63  }
0x67: {  	_ =	swait.ge [sflag:s11], $0xC80  }
0x68: {  	[sflag:s11] =	ssyncset.done $0x0  }
0x69: {  	[sflag:s11] =	ssyncadd.s32 $0xFFFFF380  }
0x6a: {  	s17 =	simm.s32 $0x0  }
0x6b: {  	[tilespmem:s17], [sflag:$0x2] =	stream.linear.gather [hbm4b:s7+s17], $0x18700, $0x38;
	[tilespmem:$0x1AC80] =	vst v63  }
0x6c: {  	_ =	swait.ge [sflag:s11], $0x18700  }
0x6d: {  	[sflag:s11] =	ssyncset.done $0x0  }
0x6e: {  	[sflag:s11] =	ssyncadd.s32 $0xFFFE7900  }
.LBB2_6:
0x6f: {  	s18 =	sshll.u32 s17, $0x5  }
0x70: {  	s18 =	sor.u32 s9, s18  }
0x71: {  	s18 =	smul.u32 $0x190, s18;
	_ =	sdelay $0x1  }
0x72: {  	s19 =	sadd.s32 s2, s18  }
0x73: {  	[tilespmem:s12], [sflag:$0x1] =	stream.linear.gather [hbm4b:s19+s4], $0xC80, $0x38;
	[tilespmem:$0x1AC80] =	vst v63  }
0x74: {  	s31 =	sadd.s32 s3, s18  }
0x75: {  	[tilespmem:s13], [sflag:$0x1] =	stream.linear.gather [hbm4b:s31+s4], $0xC80, $0x38;
	[tilespmem:$0x1AC80] =	vst v63  }
0x76: {  	s18 =	sadd.s32 s8, s18  }
0x77: {  	[tilespmem:s15], [sflag:$0x1] =	stream.linear.gather [hbm4b:s18+s4], $0xC80, $0x38;
	[tilespmem:$0x1AC80] =	vst v63  }
0x78: {  	_ =	swait.ge [sflag:s14], $0xC80  }
0x79: {  	[sflag:s14] =	ssyncset.done $0x0  }
0x7a: {  	[sflag:s14] =	ssyncadd.s32 $0xFFFFF380  }
0x7b: {  	_ =	swait.ge [sflag:s14], $0xC80  }
0x7c: {  	[sflag:s14] =	ssyncset.done $0x0  }
0x7d: {  	[sflag:s14] =	ssyncadd.s32 $0xFFFFF380  }
0x7e: {  	_ =	swait.ge [sflag:s14], $0xC80  }
0x7f: {  	[sflag:s14] =	ssyncset.done $0x0  }
0x80: {  	s21 =	simm.s32 $0x18740;
	[sflag:s14] =	ssyncadd.s32 $0xFFFFF380  }
0x81: {  	s19 =	simm.s32 $0x193C0;
	v0 =	vld [tilespmem:s21+$0x30]  }
0x82: {  	v1 =	vld [tilespmem:s19+$0x30]  }
0x83: {  	v2 =	vld [tilespmem:s19+$0xFFFFFFC0]  }
0x84: {  	v3 =	vld [tilespmem:s21+$0xFFFFFFD0]  }
0x85: {  	v4 =	vld [tilespmem:s19+$0xFFFFFFD0]  }
0x86: {  	v5 =	vld [tilespmem:s21+$0xFFFFFFE0]  }
0x87: {  	v6 =	vld [tilespmem:s19+$0xFFFFFFE0]  }
0x88: {  	v7 =	vld [tilespmem:s21+$0xFFFFFFF0]  }
0x89: {  	v8 =	vld [tilespmem:s19+$0xFFFFFFF0]  }
0x8a: {  	v9 =	vld [tilespmem:s21+$0x0]  }
0x8b: {  	v10 =	vld [tilespmem:s19+$0x0]  }
0x8c: {  	s20 =	simm.s32 $0x1A040;
	v11 =	vld [tilespmem:s21+$0x10]  }
0x8d: {  	v12 =	vld [tilespmem:s20+$0x30]  }
0x8e: {  	v13 =	vld [tilespmem:s19+$0x10]  }
0x8f: {  	v14 =	vld [tilespmem:s21+$0x20]  }
0x90: {  	v15 =	vld [tilespmem:s19+$0x20]  }
0x91: {  	v16 =	vld [tilespmem:s21+$0xFFFFFFC0]  }
0x92: {  	v62 =	vld [tilespmem:s20+$0xFFFFFFC0]  }
0x93: {  	v0 =	vld.idx.msk [tilespmem:v0+s4+$0x0], $0xffff  }
0x94: {  	v1 =	vld.idx.msk [tilespmem:v1+s4+$0x0], $0xffff  }
0x95: {  	v2 =	vld.idx.msk [tilespmem:v2+s4+$0x0], $0xffff  }
0x96: {  	v3 =	vld.idx.msk [tilespmem:v3+s4+$0x0], $0xffff  }
0x97: {  	v4 =	vld.idx.msk [tilespmem:v4+s4+$0x0], $0xffff  }
0x98: {  	v5 =	vld.idx.msk [tilespmem:v5+s4+$0x0], $0xffff  }
0x99: {  	v6 =	vld.idx.msk [tilespmem:v6+s4+$0x0], $0xffff  }
0x9a: {  	v7 =	vld.idx.msk [tilespmem:v7+s4+$0x0], $0xffff  }
0x9b: {  	v8 =	vld.idx.msk [tilespmem:v8+s4+$0x0], $0xffff  }
0x9c: {  	v16 =	vld.idx.msk [tilespmem:v16+s4+$0x0], $0xffff  }
0x9d: {  	v9 =	vld.idx.msk [tilespmem:v9+s4+$0x0], $0xffff  }
0x9e: {  	v10 =	vld.idx.msk [tilespmem:v10+s4+$0x0], $0xffff;
	v0 =	vsub.f32 v1, v0  }
0x9f: {  	v11 =	vld.idx.msk [tilespmem:v11+s4+$0x0], $0xffff  }
0xa0: {  	v1 =	vld.idx.msk [tilespmem:v13+s4+$0x0], $0xffff;
	v0 =	vmul.f32 v0, v0  }
0xa1: {  	v60 =	vld.idx.msk [tilespmem:v14+s4+$0x0], $0xffff  }
0xa2: {  	v61 =	vld.idx.msk [tilespmem:v15+s4+$0x0], $0xffff;
	v12 =	vadd.f32 v0, v12;
	v0 =	vsub.f32 v2, v16  }
0xa3: {  	v63 =	vld [tilespmem:s20+$0xFFFFFFD0];
	v2 =	vsub.f32 v4, v3;
	v4 =	vsub.f32 v6, v5  }
0xa4: {  	v6 =	vld [tilespmem:s20+$0xFFFFFFE0];
	v5 =	vsub.f32 v8, v7;
	v8 =	vsub.f32 v10, v9  }
0xa5: {  	v3 =	vld [tilespmem:s20+$0xFFFFFFF0];
	v10 =	vsub.f32 v1, v11;
	v7 =	vmul.f32 v0, v0;
	v17 =	vmul.f32 v2, v2  }
0xa6: {  	v0 =	vmul.f32 v4, v4;
	v4 =	vld [tilespmem:s20+$0x0];
	v1 =	vmul.f32 v5, v5  }
0xa7: {  	v5 =	vld [tilespmem:s20+$0x10];
	v9 =	vadd.f32 v7, v62;
	v7 =	vmul.f32 v10, v10;
	v10 =	vsub.f32 v61, v60  }
0xa8: {  	s22 =	simm.s32 $0x187C0;
	s21 =	simm.s32 $0x0;
	v2 =	vmul.f32 v8, v8;
	[tilespmem:s20+$0x30] =	vst v12;
	v8 =	vld [tilespmem:s20+$0x20];
	v11 =	vadd.f32 v17, v63  }
.LBB2_7:
0xa9: {  	v12 =	vld [tilespmem:s22+$0x30];
	[tilespmem:s20+$0xFFFFFFC0] =	vst v9;
	v0 =	vadd.f32 v0, v6;
	v6 =	vmul.f32 v10, v10;
	s19 =	sadd.s32 $0x80, s19  }
0xaa: {  	s21 =	sadd.s32 $0x80, s21;
	v9 =	vld [tilespmem:s19+$0x30];
	[tilespmem:s20+$0xFFFFFFD0] =	vst v11;
	v1 =	vadd.f32 v1, v3  }
0xab: {  	p0 =	slt.u32 s21, $0xC00;
	v3 =	vld [tilespmem:s19+$0xFFFFFFC0];
	[tilespmem:s20+$0xFFFFFFE0] =	vst v0;
	v0 =	vadd.f32 v2, v4  }
0xac: {  	v2 =	vld [tilespmem:s22+$0xFFFFFFD0];
	[tilespmem:s20+$0xFFFFFFF0] =	vst v1;
	v1 =	vadd.f32 v7, v5  }
0xad: {  	v4 =	vld [tilespmem:s19+$0xFFFFFFD0];
	[tilespmem:s20+$0x0] =	vst v0;
	v0 =	vadd.f32 v6, v8  }
0xae: {  	v5 =	vld [tilespmem:s22+$0xFFFFFFE0];
	[tilespmem:s20+$0x10] =	vst v1  }
0xaf: {  	v1 =	vld [tilespmem:s19+$0xFFFFFFE0];
	[tilespmem:s20+$0x20] =	vst v0  }
0xb0: {  	v0 =	vld [tilespmem:s22+$0xFFFFFFF0]  }
0xb1: {  	v6 =	vld.idx.msk [tilespmem:v12+s4+$0x0], $0xffff  }
0xb2: {  	v7 =	vld.idx.msk [tilespmem:v9+s4+$0x0], $0xffff  }
0xb3: {  	v8 =	vld [tilespmem:s19+$0xFFFFFFF0]  }
0xb4: {  	v9 =	vld [tilespmem:s22+$0x0]  }
0xb5: {  	v10 =	vld [tilespmem:s19+$0x0]  }
0xb6: {  	s20 =	sadd.s32 $0x80, s20;
	v11 =	vld [tilespmem:s22+$0x10]  }
0xb7: {  	v12 =	vld [tilespmem:s20+$0x30]  }
0xb8: {  	v6 =	vsub.f32 v7, v6;
	v13 =	vld [tilespmem:s19+$0x10]  }
0xb9: {  	v7 =	vld [tilespmem:s22+$0x20]  }
0xba: {  	v6 =	vmul.f32 v6, v6;
	v14 =	vld [tilespmem:s19+$0x20]  }
0xbb: {  	v15 =	vld [tilespmem:s22+$0xFFFFFFC0]  }
0xbc: {  	v3 =	vld.idx.msk [tilespmem:v3+s4+$0x0], $0xffff;
	v6 =	vadd.f32 v6, v12  }
0xbd: {  	v2 =	vld.idx.msk [tilespmem:v2+s4+$0x0], $0xffff  }
0xbe: {  	v4 =	vld.idx.msk [tilespmem:v4+s4+$0x0], $0xffff;
	[tilespmem:s20+$0x30] =	vst v6  }
0xbf: {  	v5 =	vld.idx.msk [tilespmem:v5+s4+$0x0], $0xffff  }
0xc0: {  	v1 =	vld.idx.msk [tilespmem:v1+s4+$0x0], $0xffff  }
0xc1: {  	v6 =	vld.idx.msk [tilespmem:v0+s4+$0x0], $0xffff  }
0xc2: {  	v8 =	vld.idx.msk [tilespmem:v8+s4+$0x0], $0xffff  }
0xc3: {  	v12 =	vld.idx.msk [tilespmem:v15+s4+$0x0], $0xffff  }
0xc4: {  	v0 =	vsub.f32 v4, v2;
	v2 =	vld.idx.msk [tilespmem:v9+s4+$0x0], $0xffff  }
0xc5: {  	v4 =	vld.idx.msk [tilespmem:v10+s4+$0x0], $0xffff  }
0xc6: {  	v15 =	vmul.f32 v0, v0;
	v0 =	vsub.f32 v1, v5;
	v5 =	vld.idx.msk [tilespmem:v11+s4+$0x0], $0xffff  }
0xc7: {  	v9 =	vld.idx.msk [tilespmem:v13+s4+$0x0], $0xffff  }
0xc8: {  	v0 =	vmul.f32 v0, v0;
	v1 =	vsub.f32 v8, v6;
	v8 =	vld.idx.msk [tilespmem:v7+s4+$0x0], $0xffff  }
0xc9: {  	v3 =	vsub.f32 v3, v12;
	v10 =	vld.idx.msk [tilespmem:v14+s4+$0x0], $0xffff  }
0xca: {  	v1 =	vmul.f32 v1, v1;
	v7 =	vld [tilespmem:s20+$0xFFFFFFC0]  }
0xcb: {  	v11 =	vmul.f32 v3, v3;
	v2 =	vsub.f32 v4, v2;
	v12 =	vld [tilespmem:s20+$0xFFFFFFD0]  }
.Ltmp2:
0xcc: {  	v6 =	vld [tilespmem:s20+$0xFFFFFFE0];
	(pc) =	sbr.rel @p0 .LBB2_7-.Ltmp2, $4  }
0xcd: {  	v2 =	vmul.f32 v2, v2;
	v13 =	vsub.f32 v9, v5;
	v3 =	vld [tilespmem:s20+$0xFFFFFFF0]  }
0xce: {  	v4 =	vld [tilespmem:s20+$0x0]  }
0xcf: {  	v10 =	vsub.f32 v10, v8;
	v9 =	vadd.f32 v11, v7;
	v5 =	vld [tilespmem:s20+$0x10];
	v7 =	vmul.f32 v13, v13  }
0xd0: {  	s22 =	sadd.s32 $0x80, s22;
	v11 =	vadd.f32 v15, v12;
	v8 =	vld [tilespmem:s20+$0x20]  }
0xd1: {  	[tilespmem:s20+$0xFFFFFFC0] =	vst v9;
	v0 =	vadd.f32 v0, v6  }
0xd2: {  	[tilespmem:s20+$0xFFFFFFD0] =	vst v11;
	v1 =	vadd.f32 v1, v3  }
0xd3: {  	v60 =	vmul.f32 v10, v10;
	[tilespmem:s20+$0xFFFFFFE0] =	vst v0;
	v61 =	vadd.f32 v2, v4  }
0xd4: {  	[tilespmem:s20+$0xFFFFFFF0] =	vst v1;
	v62 =	vadd.f32 v7, v5  }
0xd5: {  	s17 =	sadd.s32 $0x1, s17;
	[tilespmem:s20+$0x0] =	vst v61;
	v63 =	vadd.f32 v60, v8  }
0xd6: {  	p0 =	sne.s32 s17, $0x10;
	[tilespmem:s20+$0x10] =	vst v62  }
.Ltmp3:
0xd7: {  	[tilespmem:s20+$0x20] =	vst v63;
	(pc) =	sbr.rel @p0 .LBB2_6-.Ltmp3, $4  }
0xd8: {  	[hbm4b:s18+s4] =	stream.linear.scatter [tilespmem:s15], [sflag:$0x2], $0xC80, $0x38;
	[tilespmem:$0x1AC80] =	vst v63  }
0xd9: {  	_ =	swait.ge [sflag:s11], $0xC80  }
0xda: {  	[sflag:s11] =	ssyncset.done $0x0  }
0xdb: {  	[sflag:s11] =	ssyncadd.s32 $0xFFFFF380  }
0xdc: {  	s17 =	simm.s32 $0x0  }
0xdd: {  	[tilespmem:s17], [sflag:$0x2] =	stream.linear.gather [hbm4b:s1+s17], $0x18700, $0x38;
	[tilespmem:$0x1AC80] =	vst v63  }
0xde: {  	_ =	swait.ge [sflag:s11], $0x18700  }
0xdf: {  	[sflag:s11] =	ssyncset.done $0x0  }
0xe0: {  	[sflag:s11] =	ssyncadd.s32 $0xFFFE7900  }
.LBB2_10:
0xe1: {  	s18 =	sshll.u32 s17, $0x5  }
0xe2: {  	s18 =	sor.u32 s9, s18  }
0xe3: {  	s18 =	smul.u32 $0x190, s18;
	_ =	sdelay $0x1  }
0xe4: {  	s19 =	sadd.s32 s2, s18  }
0xe5: {  	[tilespmem:s12], [sflag:$0x1] =	stream.linear.gather [hbm4b:s19+s4], $0xC80, $0x38;
	[tilespmem:$0x1AC80] =	vst v63  }
0xe6: {  	s31 =	sadd.s32 s3, s18  }
0xe7: {  	[tilespmem:s13], [sflag:$0x1] =	stream.linear.gather [hbm4b:s31+s4], $0xC80, $0x38;
	[tilespmem:$0x1AC80] =	vst v63  }
0xe8: {  	s18 =	sadd.s32 s8, s18  }
0xe9: {  	[tilespmem:s15], [sflag:$0x1] =	stream.linear.gather [hbm4b:s18+s4], $0xC80, $0x38;
	[tilespmem:$0x1AC80] =	vst v63  }
0xea: {  	_ =	swait.ge [sflag:s14], $0xC80  }
0xeb: {  	[sflag:s14] =	ssyncset.done $0x0  }
0xec: {  	[sflag:s14] =	ssyncadd.s32 $0xFFFFF380  }
0xed: {  	_ =	swait.ge [sflag:s14], $0xC80  }
0xee: {  	[sflag:s14] =	ssyncset.done $0x0  }
0xef: {  	[sflag:s14] =	ssyncadd.s32 $0xFFFFF380  }
0xf0: {  	_ =	swait.ge [sflag:s14], $0xC80  }
0xf1: {  	[sflag:s14] =	ssyncset.done $0x0  }
0xf2: {  	s21 =	simm.s32 $0x18740;
	[sflag:s14] =	ssyncadd.s32 $0xFFFFF380  }
0xf3: {  	s19 =	simm.s32 $0x193C0;
	v0 =	vld [tilespmem:s21+$0x30]  }
0xf4: {  	v1 =	vld [tilespmem:s19+$0x30]  }
0xf5: {  	v2 =	vld [tilespmem:s19+$0xFFFFFFC0]  }
0xf6: {  	v3 =	vld [tilespmem:s21+$0xFFFFFFD0]  }
0xf7: {  	v4 =	vld [tilespmem:s19+$0xFFFFFFD0]  }
0xf8: {  	v5 =	vld [tilespmem:s21+$0xFFFFFFE0]  }
0xf9: {  	v6 =	vld [tilespmem:s19+$0xFFFFFFE0]  }
0xfa: {  	v7 =	vld [tilespmem:s21+$0xFFFFFFF0]  }
0xfb: {  	v8 =	vld [tilespmem:s19+$0xFFFFFFF0]  }
0xfc: {  	v9 =	vld [tilespmem:s21+$0x0]  }
0xfd: {  	v10 =	vld [tilespmem:s19+$0x0]  }
0xfe: {  	s20 =	simm.s32 $0x1A040;
	v11 =	vld [tilespmem:s21+$0x10]  }
0xff: {  	v12 =	vld [tilespmem:s20+$0x30]  }
0x100: {  	v13 =	vld [tilespmem:s19+$0x10]  }
0x101: {  	v14 =	vld [tilespmem:s21+$0x20]  }
0x102: {  	v15 =	vld [tilespmem:s19+$0x20]  }
0x103: {  	v16 =	vld [tilespmem:s21+$0xFFFFFFC0]  }
0x104: {  	v62 =	vld [tilespmem:s20+$0xFFFFFFC0]  }
0x105: {  	v0 =	vld.idx.msk [tilespmem:v0+s4+$0x0], $0xffff  }
0x106: {  	v1 =	vld.idx.msk [tilespmem:v1+s4+$0x0], $0xffff  }
0x107: {  	v2 =	vld.idx.msk [tilespmem:v2+s4+$0x0], $0xffff  }
0x108: {  	v3 =	vld.idx.msk [tilespmem:v3+s4+$0x0], $0xffff  }
0x109: {  	v4 =	vld.idx.msk [tilespmem:v4+s4+$0x0], $0xffff  }
0x10a: {  	v5 =	vld.idx.msk [tilespmem:v5+s4+$0x0], $0xffff  }
0x10b: {  	v6 =	vld.idx.msk [tilespmem:v6+s4+$0x0], $0xffff  }
0x10c: {  	v7 =	vld.idx.msk [tilespmem:v7+s4+$0x0], $0xffff  }
0x10d: {  	v8 =	vld.idx.msk [tilespmem:v8+s4+$0x0], $0xffff  }
0x10e: {  	v16 =	vld.idx.msk [tilespmem:v16+s4+$0x0], $0xffff  }
0x10f: {  	v9 =	vld.idx.msk [tilespmem:v9+s4+$0x0], $0xffff  }
0x110: {  	v10 =	vld.idx.msk [tilespmem:v10+s4+$0x0], $0xffff;
	v0 =	vsub.f32 v1, v0  }
0x111: {  	v11 =	vld.idx.msk [tilespmem:v11+s4+$0x0], $0xffff  }
0x112: {  	v1 =	vld.idx.msk [tilespmem:v13+s4+$0x0], $0xffff;
	v0 =	vmul.f32 v0, v0  }
0x113: {  	v60 =	vld.idx.msk [tilespmem:v14+s4+$0x0], $0xffff  }
0x114: {  	v61 =	vld.idx.msk [tilespmem:v15+s4+$0x0], $0xffff;
	v12 =	vadd.f32 v0, v12;
	v0 =	vsub.f32 v2, v16  }
0x115: {  	v63 =	vld [tilespmem:s20+$0xFFFFFFD0];
	v2 =	vsub.f32 v4, v3;
	v4 =	vsub.f32 v6, v5  }
0x116: {  	v6 =	vld [tilespmem:s20+$0xFFFFFFE0];
	v5 =	vsub.f32 v8, v7;
	v8 =	vsub.f32 v10, v9  }
0x117: {  	v3 =	vld [tilespmem:s20+$0xFFFFFFF0];
	v10 =	vsub.f32 v1, v11;
	v7 =	vmul.f32 v0, v0;
	v17 =	vmul.f32 v2, v2  }
0x118: {  	v0 =	vmul.f32 v4, v4;
	v4 =	vld [tilespmem:s20+$0x0];
	v1 =	vmul.f32 v5, v5  }
0x119: {  	v5 =	vld [tilespmem:s20+$0x10];
	v9 =	vadd.f32 v7, v62;
	v7 =	vmul.f32 v10, v10;
	v10 =	vsub.f32 v61, v60  }
0x11a: {  	s22 =	simm.s32 $0x187C0;
	s21 =	simm.s32 $0x0;
	v2 =	vmul.f32 v8, v8;
	[tilespmem:s20+$0x30] =	vst v12;
	v8 =	vld [tilespmem:s20+$0x20];
	v11 =	vadd.f32 v17, v63  }
.LBB2_11:
0x11b: {  	v12 =	vld [tilespmem:s22+$0x30];
	[tilespmem:s20+$0xFFFFFFC0] =	vst v9;
	v0 =	vadd.f32 v0, v6;
	v6 =	vmul.f32 v10, v10;
	s19 =	sadd.s32 $0x80, s19  }
0x11c: {  	s21 =	sadd.s32 $0x80, s21;
	v9 =	vld [tilespmem:s19+$0x30];
	[tilespmem:s20+$0xFFFFFFD0] =	vst v11;
	v1 =	vadd.f32 v1, v3  }
0x11d: {  	p0 =	slt.u32 s21, $0xC00;
	v3 =	vld [tilespmem:s19+$0xFFFFFFC0];
	[tilespmem:s20+$0xFFFFFFE0] =	vst v0;
	v0 =	vadd.f32 v2, v4  }
0x11e: {  	v2 =	vld [tilespmem:s22+$0xFFFFFFD0];
	[tilespmem:s20+$0xFFFFFFF0] =	vst v1;
	v1 =	vadd.f32 v7, v5  }
0x11f: {  	v4 =	vld [tilespmem:s19+$0xFFFFFFD0];
	[tilespmem:s20+$0x0] =	vst v0;
	v0 =	vadd.f32 v6, v8  }
0x120: {  	v5 =	vld [tilespmem:s22+$0xFFFFFFE0];
	[tilespmem:s20+$0x10] =	vst v1  }
0x121: {  	v1 =	vld [tilespmem:s19+$0xFFFFFFE0];
	[tilespmem:s20+$0x20] =	vst v0  }
0x122: {  	v0 =	vld [tilespmem:s22+$0xFFFFFFF0]  }
0x123: {  	v6 =	vld.idx.msk [tilespmem:v12+s4+$0x0], $0xffff  }
0x124: {  	v7 =	vld.idx.msk [tilespmem:v9+s4+$0x0], $0xffff  }
0x125: {  	v8 =	vld [tilespmem:s19+$0xFFFFFFF0]  }
0x126: {  	v9 =	vld [tilespmem:s22+$0x0]  }
0x127: {  	v10 =	vld [tilespmem:s19+$0x0]  }
0x128: {  	s20 =	sadd.s32 $0x80, s20;
	v11 =	vld [tilespmem:s22+$0x10]  }
0x129: {  	v12 =	vld [tilespmem:s20+$0x30]  }
0x12a: {  	v6 =	vsub.f32 v7, v6;
	v13 =	vld [tilespmem:s19+$0x10]  }
0x12b: {  	v7 =	vld [tilespmem:s22+$0x20]  }
0x12c: {  	v6 =	vmul.f32 v6, v6;
	v14 =	vld [tilespmem:s19+$0x20]  }
0x12d: {  	v15 =	vld [tilespmem:s22+$0xFFFFFFC0]  }
0x12e: {  	v3 =	vld.idx.msk [tilespmem:v3+s4+$0x0], $0xffff;
	v6 =	vadd.f32 v6, v12  }
0x12f: {  	v2 =	vld.idx.msk [tilespmem:v2+s4+$0x0], $0xffff  }
0x130: {  	v4 =	vld.idx.msk [tilespmem:v4+s4+$0x0], $0xffff;
	[tilespmem:s20+$0x30] =	vst v6  }
0x131: {  	v5 =	vld.idx.msk [tilespmem:v5+s4+$0x0], $0xffff  }
0x132: {  	v1 =	vld.idx.msk [tilespmem:v1+s4+$0x0], $0xffff  }
0x133: {  	v6 =	vld.idx.msk [tilespmem:v0+s4+$0x0], $0xffff  }
0x134: {  	v8 =	vld.idx.msk [tilespmem:v8+s4+$0x0], $0xffff  }
0x135: {  	v12 =	vld.idx.msk [tilespmem:v15+s4+$0x0], $0xffff  }
0x136: {  	v0 =	vsub.f32 v4, v2;
	v2 =	vld.idx.msk [tilespmem:v9+s4+$0x0], $0xffff  }
0x137: {  	v4 =	vld.idx.msk [tilespmem:v10+s4+$0x0], $0xffff  }
0x138: {  	v15 =	vmul.f32 v0, v0;
	v0 =	vsub.f32 v1, v5;
	v5 =	vld.idx.msk [tilespmem:v11+s4+$0x0], $0xffff  }
0x139: {  	v9 =	vld.idx.msk [tilespmem:v13+s4+$0x0], $0xffff  }
0x13a: {  	v0 =	vmul.f32 v0, v0;
	v1 =	vsub.f32 v8, v6;
	v8 =	vld.idx.msk [tilespmem:v7+s4+$0x0], $0xffff  }
0x13b: {  	v3 =	vsub.f32 v3, v12;
	v10 =	vld.idx.msk [tilespmem:v14+s4+$0x0], $0xffff  }
0x13c: {  	v1 =	vmul.f32 v1, v1;
	v7 =	vld [tilespmem:s20+$0xFFFFFFC0]  }
0x13d: {  	v11 =	vmul.f32 v3, v3;
	v2 =	vsub.f32 v4, v2;
	v12 =	vld [tilespmem:s20+$0xFFFFFFD0]  }
.Ltmp4:
0x13e: {  	v6 =	vld [tilespmem:s20+$0xFFFFFFE0];
	(pc) =	sbr.rel @p0 .LBB2_11-.Ltmp4, $4  }
0x13f: {  	v2 =	vmul.f32 v2, v2;
	v13 =	vsub.f32 v9, v5;
	v3 =	vld [tilespmem:s20+$0xFFFFFFF0]  }
0x140: {  	v4 =	vld [tilespmem:s20+$0x0]  }
0x141: {  	v10 =	vsub.f32 v10, v8;
	v9 =	vadd.f32 v11, v7;
	v5 =	vld [tilespmem:s20+$0x10];
	v7 =	vmul.f32 v13, v13  }
0x142: {  	s22 =	sadd.s32 $0x80, s22;
	v11 =	vadd.f32 v15, v12;
	v8 =	vld [tilespmem:s20+$0x20]  }
0x143: {  	[tilespmem:s20+$0xFFFFFFC0] =	vst v9;
	v0 =	vadd.f32 v0, v6  }
0x144: {  	[tilespmem:s20+$0xFFFFFFD0] =	vst v11;
	v1 =	vadd.f32 v1, v3  }
0x145: {  	v60 =	vmul.f32 v10, v10;
	[tilespmem:s20+$0xFFFFFFE0] =	vst v0;
	v61 =	vadd.f32 v2, v4  }
0x146: {  	[tilespmem:s20+$0xFFFFFFF0] =	vst v1;
	v62 =	vadd.f32 v7, v5  }
0x147: {  	s17 =	sadd.s32 $0x1, s17;
	[tilespmem:s20+$0x0] =	vst v61;
	v63 =	vadd.f32 v60, v8  }
0x148: {  	p0 =	sne.s32 s17, $0x10;
	[tilespmem:s20+$0x10] =	vst v62  }
.Ltmp5:
0x149: {  	[tilespmem:s20+$0x20] =	vst v63;
	(pc) =	sbr.rel @p0 .LBB2_10-.Ltmp5, $4  }
0x14a: {  	[hbm4b:s18+s4] =	stream.linear.scatter [tilespmem:s15], [sflag:$0x2], $0xC80, $0x38;
	[tilespmem:$0x1AC80] =	vst v63  }
0x14b: {  	_ =	swait.ge [sflag:s11], $0xC80  }
0x14c: {  	[sflag:s11] =	ssyncset.done $0x0  }
0x14d: {  	[sflag:s11] =	ssyncadd.s32 $0xFFFFF380  }
0x14e: {  	s16 =	sadd.s32 $0x1, s16  }
0x14f: {  	p0 =	sne.s32 s16, s10  }
.Ltmp6:
0x150: {  	_ = 	snop;
	(pc) =	sbr.rel @p0 .LBB2_1-.Ltmp6, $1  }
0x151: {  	_ =	sdelay $0x3  }
0x152: {  	_ =	sfence.sel $0x180000  }
0x153: {  	[bflag:$0x0] =	sbarrier.arrive $0xFFFF  }
0x154: {  	p0 =	sne.s32 s5, $0x0;
	_ =	strace $0x90000047  }
0x155: {  	s0 =	sadd.s32 @!p0 $0x100000, s0;
	[bflag:$0x2] =	sbarrier.arrive $0xFFFF  }
0x156: {  	[sflag:s0] =	ssyncadd.tile.s32 @!p0 $0x1;
	_ =	shalt  }
.Lfunc_end2:
_tile_overlayer_lowered:
.L_overlay_start_2:
0x157: {  	(tag) =	ssettag $0x2  }
0x158: {  	s0 =	rddreg [dreg:$0x0];
	s2 =	stileid.u32  }
0x159: {  	s1 =	rddreg [dreg:$0x1];
	p0 =	sne.s32 s2, $0x0  }
0x15a: {  	s3 =	rddreg [dreg:$0x2];
	[bflag:$0x3] =	sbarrier.arrive $0xFFFF;
	s2 =	simm.s32 @!p0 $0x1C02  }
0x15b: {  	[timem:s3], [sflag:s2] =	dma.local @!p0 [hbm:s0], s1  }
0x15c: {  	s0 =	simm.s32 @!p0 $0x2  }
0x15d: {  	_ =	swait.ge @!p0 [sflag:s0], s1  }
0x15e: {  	s1 =	ssub.s32 @!p0 $0x0, s1;
	[sflag:s0] =	ssyncset.done @!p0 $0x0  }
0x15f: {  	[sflag:s0] =	ssyncadd.s32 @!p0 s1  }
0x160: {  	[bflag:$0x3] =	sbarrier.arrive $0xFFFF  }
0x161: {  	_ =	shalt  }

// kernel: kernel.8.cloned.1.call-start
scs
__scs_entry_jumppad:
0x0: {  	(pc) =	sbr.rel $0x88, $3  }
0x1: {  	(tag) =	ssettag $0x0;
	lr =	simm.s32 $0x1  }
0x2: {  	[smem:$0x3F9C] =	sst lr;
	_ =	strace $0xD0000000  }
0x3: {  	_ = 	snop  }
0x4: {  	_ = 	snop  }
0x5: {  	_ = 	snop  }
0x6: {  	_ = 	snop  }
0x7: {  	_ = 	snop  }
__scs_overlays_trampoline_lowered:
0x8: {  	[smem:$0x3FAB] =	sst s0  }
0x9: {  	[smem:$0x3FAC] =	sst s1  }
0xa: {  	[smem:$0x3FAD] =	sst s2  }
0xb: {  	[smem:$0x3FAE] =	sst s3  }
0xc: {  	[smem:$0x3FAF] =	sst s4  }
0xd: {  	[smem:$0x3FB0] =	sst s5  }
0xe: {  	[smem:$0x3FB1] =	sst s6  }
0xf: {  	[smem:$0x3FB2] =	sst s7  }
0x10: {  	[smem:$0x3FB3] =	sst s8  }
0x11: {  	[smem:$0x3FB4] =	sst s9;
	s0 =	simm.s32 @!p0 $0x0  }
0x12: {  	s1 =	sld [smem:$0x3F9A];
	s0 =	simm.s32 @p0 $0x1  }
0x13: {  	[smem:$0x3FB5] =	sst s0;
	s0 =	simm.s32 @!p1 $0x0  }
0x14: {  	s2 =	sld [smem:$0x3F99];
	s0 =	simm.s32 @p1 $0x1  }
0x15: {  	[smem:$0x3FB6] =	sst s0;
	s0 =	simm.s32 @!p2 $0x0  }
0x16: {  	s3 =	sld [smem:$0x3FDB];
	s0 =	simm.s32 @p2 $0x1  }
0x17: {  	s4 =	simm.s32 $0x1BF5;
	[smem:$0x3FB8] =	sst s0  }
0x18: {  	s0 =	sld [smem:$0x3F9B];
	_ =	swait.ge [sflag:s4], $0x0  }
0x19: {  	s7 =	sld [smem:$0x3F9C]  }
0x1a: {  	s8 =	sadd.s32 $0xFFFFE003, lr  }
0x1b: {  	s9 =	sadd.s32 $0xFFFFFEF7, lr;
	s5 =	simm.s32 $0xFFFFFFFF;
	p2 =	slt.u32 s8, $0xFFFFF086  }
0x1c: {  	p1 =	slt.u32 s9, $0xF7A;
	s5 =	simm.s32 @!p2 $0x0  }
0x1d: {  	s5 =	simm.s32 @p1 $0x1;
	p0 =	seq.s32 s7, s2  }
0x1e: {  	s7 =	smul.u32 @!p0 $0xF7A, s2;
	p2 =	seq.s32 @!p0 s5, $0x0  }
0x1f: {  	s9 =	smul.u32 $0xF7A, s1;
	s8 =	simm.s32 @!p0 $0x1BF5;
	p2 =	por !p2, p0  }
0x20: {  	[sflag:s8] =	ssyncset.s32 @!p0 $0xFFFFF086;
	s6 =	sadd.s32 @!p0 s3, s7;
	s7 =	simm.s32 @!p0 $0x108  }
0x21: {  	s3 =	sadd.s32 s3, s9;
	s6 =	sadd.s32 @!p0 $0x88, s6;
	s7 =	simm.s32 @p2 $0x1082  }
0x22: {  	[simem:s7], [sflag:s8] =	dma.local @!p0 [hbm:s6], $0xF7A  }
0x23: {  	s9 =	sor.u32 $0xD0000000, s2;
	s6 =	simm.s32 $0x108;
	_ =	swait.ge @!p0 [sflag:s8], $0x0  }
0x24: {  	s3 =	sadd.s32 $0x88, s3;
	s6 =	simm.s32 @!p1 $0x1082;
	[sflag:s4] =	ssyncset.s32 $0xFFFFF086  }
0x25: {  	[simem:s6], [sflag:s4] =	dma.local [hbm:s3], $0xF7A  }
0x26: {  	[smem:$0x3F9C] =	sst s1;
	(tag) =	ssettag s2;
	_ =	strace s9  }
0x27: {  	s1 =	sld [smem:$0x3FAC]  }
0x28: {  	s2 =	sld [smem:$0x3FAD]  }
0x29: {  	s4 =	sld [smem:$0x3FAF]  }
0x2a: {  	p0 =	seq.s32 s5, $0x0;
	s5 =	sld [smem:$0x3FB0]  }
0x2b: {  	s6 =	sld [smem:$0x3FB1]  }
0x2c: {  	s7 =	sld [smem:$0x3FB2]  }
0x2d: {  	s3 =	simm.s32 $0x108;
	s8 =	sld [smem:$0x3FB3]  }
0x2e: {  	s3 =	simm.s32 @!p0 $0x1082;
	s9 =	sld [smem:$0x3FB4]  }
0x2f: {  	lr =	sadd.s32 s0, s3;
	s0 =	sld [smem:$0x3FAB]  }
0x30: {  	s3 =	sld [smem:$0x3FAE]  }
0x31: {  	[smem:$0x3FB7] =	sst s10  }
0x32: {  	s10 =	sld [smem:$0x3FB5];
	_ =	sdelay $0x3  }
0x33: {  	p0 =	seq.s32 s10, $0x1;
	s10 =	sld [smem:$0x3FB7];
	_ =	sdelay $0x3  }
0x34: {  	[smem:$0x3FB7] =	sst s10  }
0x35: {  	s10 =	sld [smem:$0x3FB6];
	_ =	sdelay $0x3  }
0x36: {  	p1 =	seq.s32 s10, $0x1;
	s10 =	sld [smem:$0x3FB7];
	_ =	sdelay $0x3  }
0x37: {  	[smem:$0x3FB7] =	sst s10  }
0x38: {  	s10 =	sld [smem:$0x3FB8]  }
0x39: {  	_ = 	snop;
	(pc) =	sbr.ind lr, $3  }
0x3a: {  	_ = 	snop  }
0x3b: {  	_ = 	snop  }
0x3c: {  	p2 =	seq.s32 s10, $0x1;
	s10 =	sld [smem:$0x3FB7]  }
0x3d: {  	_ =	shalt  }
0x3e: {  	_ =	shalt  }
0x3f: {  	_ =	shalt  }
0x40: {  	_ =	shalt  }
0x41: {  	_ =	shalt  }
0x42: {  	_ =	shalt  }
0x43: {  	_ =	shalt  }
0x44: {  	_ =	shalt  }
0x45: {  	_ =	shalt  }
0x46: {  	_ =	shalt  }
0x47: {  	_ =	shalt  }
0x48: {  	_ =	shalt  }
0x49: {  	_ =	shalt  }
0x4a: {  	_ =	shalt  }
0x4b: {  	_ =	shalt  }
0x4c: {  	_ =	shalt  }
0x4d: {  	_ =	shalt  }
0x4e: {  	_ =	shalt  }
0x4f: {  	_ =	shalt  }
0x50: {  	_ =	shalt  }
0x51: {  	_ =	shalt  }
0x52: {  	_ =	shalt  }
0x53: {  	_ =	shalt  }
0x54: {  	_ =	shalt  }
0x55: {  	_ =	shalt  }
0x56: {  	_ =	shalt  }
0x57: {  	_ =	shalt  }
0x58: {  	_ =	shalt  }
0x59: {  	_ =	shalt  }
0x5a: {  	_ =	shalt  }
0x5b: {  	_ =	shalt  }
0x5c: {  	_ =	shalt  }
0x5d: {  	_ =	shalt  }
0x5e: {  	_ =	shalt  }
0x5f: {  	_ =	shalt  }
0x60: {  	_ =	shalt  }
0x61: {  	_ =	shalt  }
0x62: {  	_ =	shalt  }
0x63: {  	_ =	shalt  }
0x64: {  	_ =	shalt  }
0x65: {  	_ =	shalt  }
0x66: {  	_ =	shalt  }
0x67: {  	_ =	shalt  }
0x68: {  	_ =	shalt  }
0x69: {  	_ =	shalt  }
0x6a: {  	_ =	shalt  }
0x6b: {  	_ =	shalt  }
0x6c: {  	_ =	shalt  }
0x6d: {  	_ =	shalt  }
0x6e: {  	_ =	shalt  }
0x6f: {  	_ =	shalt  }
0x70: {  	_ =	shalt  }
0x71: {  	_ =	shalt  }
0x72: {  	_ =	shalt  }
0x73: {  	_ =	shalt  }
0x74: {  	_ =	shalt  }
0x75: {  	_ =	shalt  }
0x76: {  	_ =	shalt  }
0x77: {  	_ =	shalt  }
0x78: {  	_ =	shalt  }
0x79: {  	_ =	shalt  }
0x7a: {  	_ =	shalt  }
0x7b: {  	_ =	shalt  }
0x7c: {  	_ =	shalt  }
0x7d: {  	_ =	shalt  }
0x7e: {  	_ =	shalt  }
0x7f: {  	_ =	shalt  }
0x80: {  	_ =	shalt  }
0x81: {  	_ =	shalt  }
0x82: {  	_ =	shalt  }
0x83: {  	_ =	shalt  }
0x84: {  	_ =	shalt  }
0x85: {  	_ =	shalt  }
0x86: {  	_ =	shalt  }
0x87: {  	_ =	shalt  }
.Lfunc_end0:
.L_simem_size_0:
called_computation.1_lowered:
.L_overlay_start_0:
0x88: {  	s2 =	sld [smem:$0x3FD9]  }
0x89: {  	s3 =	sld [smem:$0x3FFE];
	_ =	sdelay $0x1  }
0x8a: {  	s1 =	srdreg.scid  }
0x8b: {  	s0 =	sand.u32 $0x1, s1  }
0x8c: {  	s17 =	sshll.u32 s0, $0xA;
	s2 =	sadd.s32 s3, s2  }
0x8d: {  	s2 =	sadd.s32 s2, s17  }
0x8e: {  	[smem:$0x3FC3] =	sst s2  }
0x8f: {  	_ = 	snop  }
0x90: {  	s18 =	sld [smem:$0x3FC5];
	(tm) =	ssettm $0x1  }
0x91: {  	s19 =	sld [smem:$0x3FFB];
	_ =	sdelay $0x3  }
0x92: {  	_ =	strace s19  }
0x93: {  	s2 =	sld [smem:$0x3FFC];
	_ =	sdelay $0x3  }
0x94: {  	_ =	strace s2  }
0x95: {  	s2 =	sld [smem:$0x3FFD];
	_ =	sdelay $0x3  }
0x96: {  	_ =	strace s2  }
0x97: {  	_ =	strace $0x8FFFFFFF  }
0x98: {  	s20 =	sld [smem:$0x3FDB];
	_ =	sdelay $0x1  }
0x99: {  	s4 =	simm.s32 $_scs_section_size  }
0x9a: {  	s5 =	simm.s32 $_size__tile_overlayer_lowered;
	s6 =	simm.s32 $_tile_overlayer_lowered  }
0x9b: {  	s7 =	simm.s32 $0x1BFF;
	s21 =	sshll.u32 s6, $0x1;
	s4 =	sadd.s32 s4, s20  }
0x9c: {  	s22 =	simm.s32 $0x0;
	s5 =	sshll.u32 s5, $0x1;
	s6 =	sadd.s32 s21, s4  }
0x9d: {  	[timem:s22], [sflag:s7] =	dma.local [hbm:s6], s5  }
0x9e: {  	_ =	swait.ge [sflag:s7], s5  }
0x9f: {  	s5 =	ssub.s32 $0x0, s5;
	[sflag:s7] =	ssyncset.done $0x0  }
0xa0: {  	[sflag:s7] =	ssyncadd.s32 s5;
	_ =	sdelay $0x1  }
0xa1: {  	s23 =	simm.s32 $0x1B8B  }
0xa2: {  	_ =	swait.ge [sflag:s23], $0x1  }
0xa3: {  	[sflag:s23] =	ssyncset.done $0x0  }
0xa4: {  	[sflag:s23] =	ssyncadd.s32 $0xFFFFFFFF  }
0xa5: {  	s5 =	sld [smem:$0x0]  }
0xa6: {  	s6 =	sand.u32 $0xFFFFFFFE, s1  }
0xa7: {  	p0 =	sne.s32 s1, s6  }
0xa8: {  	s6 =	sshll.u32 @p0 s6, $0xE  }
0xa9: {  	s6 =	sadd.s32 @p0 $0x11B8D, s6;
	s7 =	sshll.u32 @p0 s5, $0x11  }
0xaa: {  	s6 =	sor.u32 @p0 s7, s6  }
0xab: {  	[sflag:s6] =	ssyncadd.remote.s32 @p0 $0x1;
	_ =	sdelay $0x1  }
0xac: {  	s6 =	simm.s32 @p0 $0x1B8D  }
0xad: {  	_ =	swait.eq @p0 [sflag:s6], $0x1  }
0xae: {  	[sflag:s6] =	ssyncadd.s32 @p0 $0xFFFFFFFF  }
0xaf: {  	s7 =	sshll.u32 @!p0 s1, $0xE  }
0xb0: {  	s7 =	sor.u32 @!p0 $0x4000, s7;
	s6 =	simm.s32 @!p0 $0x1B8D  }
0xb1: {  	s5 =	sshll.u32 @!p0 s5, $0x11;
	s7 =	sadd.s32 @!p0 $0x11B8D, s7;
	_ =	swait.eq @!p0 [sflag:s6], $0x1  }
0xb2: {  	s5 =	sor.u32 @!p0 s5, s7;
	[sflag:s6] =	ssyncadd.s32 @!p0 $0xFFFFFFFF  }
0xb3: {  	s25 =	simm.s32 $0x1B8E;
	s24 =	sld [smem:$0x3FFE];
	[sflag:s5] =	ssyncadd.remote.s32 @!p0 $0x1  }
0xb4: {  	s26 =	simm.s32 $execute0_lowered;
	[smem:$0x3FD2] =	sst s25  }
0xb5: {  	s6 =	sshll.u32 s26, $0x1;
	_ =	strace $0x80000049;
	[dreg:$0x1] =	wrdreg $0xFFFFFFFF  }
0xb6: {  	s28 =	simm.s32 $_size_execute0_lowered;
	s4 =	sadd.s32 s4, s6;
	[dreg:$0x0] =	wrdreg $0x0  }
0xb7: {  	s6 =	sshll.u32 s28, $0x1;
	[dreg:$0x2] =	wrdreg s4  }
0xb8: {  	[dreg:$0x3] =	wrdreg s6  }
0xb9: {  	[dreg:$0x4] =	wrdreg $0xC0  }
0xba: {  	_ =	task [dreg:s22], $0x5FFFF  }
0xbb: {  	[dreg:$0x1] =	wrdreg $0xFFFFFFFF  }
0xbc: {  	[dreg:$0x0] =	wrdreg $0x60  }
0xbd: {  	[dreg:$0x2] =	wrdreg s18  }
0xbe: {  	[dreg:$0x3] =	wrdreg s24  }
0xbf: {  	[dreg:$0x4] =	wrdreg $0xA  }
0xc0: {  	_ =	task.clear_ibuf [dreg:s22], $0x5FFFF;
	_ =	strace $0x90000049  }
0xc1: {  	s29 =	simm.s32 $0xA;
	_ =	strace $0x8000004B  }
0xc2: {  	_ =	swait.ge [sflag:s29], $0x1  }
0xc3: {  	[sflag:s29] =	ssyncadd.s32 $0xFFFFFFFF  }
0xc4: {  	_ =	strace $0x9000004B  }
0xc5: {  	_ =	sfence  }
0xc6: {  	s30 =	sld [smem:$0x0];
	_ =	sdelay $0x2  }
0xc7: {  	s31 =	sshll.u32 s1, $0xD;
	s1 =	sshrl.u32 s1, $0x2  }
0xc8: {  	s4 =	sand.u32 $0x4000, s31;
	s1 =	sadd.s32 s1, s30  }
0xc9: {  	s0 =	sor.u32 s4, s0;
	s1 =	sshll.u32 s1, $0x11  }
0xca: {  	s0 =	sor.u32 s1, s0  }
0xcb: {  	s0 =	sadd.s32 $0x8F2B, s0  }
0xcc: {  	[sflag:s0] =	ssyncadd.remote.s32 $0x1  }
0xcd: {  	_ =	sfence.sel $0xFFFF  }
0xce: {  	[dreg:$0x0] =	wrdreg $0xFFFFFFFF;
	(pc) =	sbr.abs _section_cstart, $3  }
0xcf: {  	[dreg:$0x1] =	wrdreg $0xFFFFFFFF  }
0xd0: {  	_ =	task.clear_ibuf [dreg:s22], $0x2FFFF;
	_ =	strace $0x9FFFFFFF  }
0xd1: {  	(tm) =	ssettm $0x7FFFFFFF  }
tec
execute0_lowered:
.L_overlay_start_1:
0x0: {  	(tag) =	ssettag $0x1  }
0x1: {  	s1 =	rddreg [dreg:$0x0]  }
0x2: {  	s4 =	rddreg [dreg:$0x1]  }
0x3: {  	s0 =	rddreg [dreg:$0x2]  }
0x4: {  	s3 =	simm.s32 $0x0;
	s5 =	srdreg.scid;
	s2 =	stileid.u32  }
0x5: {  	[smem:$0x7FF] =	sst s3;
	s5 =	sand.u32 $0x1, s5;
	s6 =	sshll.u32 s2, $0x8  }
0x6: {  	s7 =	sshll.u32 s2, $0xF;
	_ =	strace $0x8000004A;
	s8 =	ssub.s32 $0x2, s5  }
0x7: {  	s6 =	sadd.s32 s6, s4;
	s7 =	sadd.s32 s7, s4;
	s9 =	sshll.u32 s5, $0x7  }
0x8: {  	s5 =	sshll.u32 s5, $0xE;
	s4 =	sshll.u32 s2, $0x1;
	s31 =	sshrl.u32 s8, $0x1  }
0x9: {  	s6 =	sadd.s32 s9, s6;
	s7 =	sadd.s32 s5, s7;
	s8 =	ssub.s32 s8, s31  }
0xa: {  	s6 =	sadd.s32 $0x38C00, s6;
	s7 =	sadd.s32 $0x3DE00, s7;
	s5 =	smax.u32 s8, $0x1  }
.LBB2_1:
0xb: {  	s8 =	sadd.s32 $0x0, s4  }
0xc: {  	p0 =	sgt.u32 s8, $0x63  }
0xd: {  	s8 =	simm.s32 @!p0 $0x0;
	s9 =	simm.s32 @!p0 $0x3  }
0xe: {  	[tilespmem:s8], [sflag:$0x3] =	stream.linear.gather @!p0 [hbm4b:s6+s8], $0x400, $0x38;
	[tilespmem:$0x10400] =	vst v63  }
0xf: {  	_ =	swait.ge @!p0 [sflag:s9], $0x400  }
0x10: {  	[sflag:s9] =	ssyncset.done @!p0 $0x0;
	p0 =	por p0, p0  }
0x11: {  	[sflag:s9] =	ssyncadd.s32 @!p0 $0xFFFFFC00;
	s10 =	simm.s32 @!p0 $0x80;
	s11 =	simm.s32 @!p0 $0x400  }
0x12: {  	[tilespmem:s11], [sflag:$0x1] =	stream.indirect.gather @!p0 [hbm4b:s1+s10], $0x80, s8, s10, $0xb8;
	[tilespmem:$0x10400] =	vst v63  }
0x13: {  	s12 =	simm.s32 @!p0 $0x4400  }
0x14: {  	[tilespmem:s12], [sflag:$0x1] =	stream.indirect.gather @!p0 [hbm4b:s1+s10], $0x80, s10, s10, $0xb8;
	[tilespmem:$0x10400] =	vst v63  }
0x15: {  	s13 =	simm.s32 @!p0 $0x100;
	s14 =	simm.s32 @!p0 $0x8400  }
0x16: {  	[tilespmem:s14], [sflag:$0x1] =	stream.indirect.gather @!p0 [hbm4b:s1+s10], $0x80, s13, s10, $0xb8;
	[tilespmem:$0x10400] =	vst v63  }
0x17: {  	s15 =	simm.s32 @!p0 $0xC400;
	s16 =	simm.s32 @!p0 $0x1;
	s13 =	simm.s32 @!p0 $0x180  }
0x18: {  	[tilespmem:s15], [sflag:$0x1] =	stream.indirect.gather @!p0 [hbm4b:s1+s10], $0x80, s13, s10, $0xb8;
	[tilespmem:$0x10400] =	vst v63  }
0x19: {  	_ =	swait.ge @!p0 [sflag:s16], $0x4000  }
0x1a: {  	[sflag:s16] =	ssyncset.done @!p0 $0x0  }
0x1b: {  	[sflag:s16] =	ssyncadd.s32 @!p0 $0xFFFFC000  }
0x1c: {  	_ =	swait.ge @!p0 [sflag:s16], $0x4000  }
0x1d: {  	[sflag:s16] =	ssyncset.done @!p0 $0x0  }
0x1e: {  	[sflag:s16] =	ssyncadd.s32 @!p0 $0xFFFFC000  }
0x1f: {  	_ =	swait.ge @!p0 [sflag:s16], $0x4000  }
0x20: {  	[sflag:s16] =	ssyncset.done @!p0 $0x0  }
0x21: {  	[sflag:s16] =	ssyncadd.s32 @!p0 $0xFFFFC000  }
0x22: {  	_ =	swait.ge @!p0 [sflag:s16], $0x4000  }
0x23: {  	[sflag:s16] =	ssyncset.done @!p0 $0x0  }
0x24: {  	s13 =	sadd.s32 @!p0 $0xFFFFE000, s7;
	[sflag:s16] =	ssyncadd.s32 @!p0 $0xFFFFC000  }
0x25: {  	[hbm4b:s13+s8] =	stream.linear.scatter @!p0 [tilespmem:s11], [sflag:$0x3], $0x10000, $0x38;
	[tilespmem:$0x10400] =	vst v63  }
0x26: {  	_ =	swait.ge @!p0 [sflag:s9], $0x10000  }
0x27: {  	[sflag:s9] =	ssyncset.done @!p0 $0x0  }
0x28: {  	[sflag:s9] =	ssyncadd.s32 @!p0 $0xFFFF0000;
	s9 =	simm.s32 @!p0 $0x200  }
0x29: {  	[tilespmem:s11], [sflag:$0x1] =	stream.indirect.gather @!p0 [hbm4b:s1+s10], $0x80, s9, s10, $0xb8;
	[tilespmem:$0x10400] =	vst v63  }
0x2a: {  	s9 =	simm.s32 @!p0 $0x280  }
0x2b: {  	[tilespmem:s12], [sflag:$0x1] =	stream.indirect.gather @!p0 [hbm4b:s1+s10], $0x80, s9, s10, $0xb8;
	[tilespmem:$0x10400] =	vst v63  }
0x2c: {  	s9 =	simm.s32 @!p0 $0x300  }
0x2d: {  	[tilespmem:s14], [sflag:$0x1] =	stream.indirect.gather @!p0 [hbm4b:s1+s10], $0x80, s9, s10, $0xb8;
	[tilespmem:$0x10400] =	vst v63  }
0x2e: {  	s9 =	simm.s32 @!p0 $0x380  }
0x2f: {  	[tilespmem:s15], [sflag:$0x1] =	stream.indirect.gather @!p0 [hbm4b:s1+s10], $0x80, s9, s10, $0xb8;
	[tilespmem:$0x10400] =	vst v63  }
0x30: {  	_ =	swait.ge @!p0 [sflag:s16], $0x4000  }
0x31: {  	[sflag:s16] =	ssyncset.done @!p0 $0x0  }
0x32: {  	[sflag:s16] =	ssyncadd.s32 @!p0 $0xFFFFC000  }
0x33: {  	_ =	swait.ge @!p0 [sflag:s16], $0x4000  }
0x34: {  	[sflag:s16] =	ssyncset.done @!p0 $0x0  }
0x35: {  	[sflag:s16] =	ssyncadd.s32 @!p0 $0xFFFFC000  }
0x36: {  	_ =	swait.ge @!p0 [sflag:s16], $0x4000  }
0x37: {  	[sflag:s16] =	ssyncset.done @!p0 $0x0  }
0x38: {  	[sflag:s16] =	ssyncadd.s32 @!p0 $0xFFFFC000  }
0x39: {  	_ =	swait.ge @!p0 [sflag:s16], $0x4000  }
0x3a: {  	[sflag:s16] =	ssyncset.done @!p0 $0x0  }
0x3b: {  	s31 =	sadd.s32 $0x20, s4;
	s14 =	simm.s32 @!p0 $0x2;
	[sflag:s16] =	ssyncadd.s32 @!p0 $0xFFFFC000  }
0x3c: {  	[hbm4b:s7+s8] =	stream.linear.scatter @!p0 [tilespmem:s11], [sflag:$0x2], $0x10000, $0x38;
	[tilespmem:$0x10400] =	vst v63  }
0x3d: {  	p2 =	sgt.u32 s31, $0x63;
	s9 =	simm.s32 $0x40;
	_ =	swait.ge @!p0 [sflag:s14], $0x10000  }
0x3e: {  	s10 =	sadd.s32 $0x1000, s6;
	s8 =	sadd.s32 $0x80000, s7;
	[sflag:s14] =	ssyncset.done @!p0 $0x0  }
.LBB2_2:
0x3f: {  	s11 =	simm.s32 @!p2 $0x0;
	s16 =	simm.s32 @!p2 $0x3;
	[sflag:s14] =	ssyncadd.s32 @!p0 $0xFFFF0000  }
0x40: {  	[tilespmem:s11], [sflag:$0x3] =	stream.linear.gather @!p2 [hbm4b:s10+s11], $0x400, $0x38;
	[tilespmem:$0x10400] =	vst v63  }
0x41: {  	s12 =	smov.u32 s9;
	s9 =	sadd.s32 $0x20, s9;
	_ =	swait.ge @!p2 [sflag:s16], $0x400  }
0x42: {  	p0 =	por p2, p2;
	p1 =	sne.s32 s9, $0x80;
	[sflag:s16] =	ssyncset.done @!p2 $0x0  }
0x43: {  	s15 =	simm.s32 @!p0 $0x80;
	s13 =	simm.s32 @!p0 $0x400;
	[sflag:s16] =	ssyncadd.s32 @!p0 $0xFFFFFC00  }
0x44: {  	[tilespmem:s13], [sflag:$0x1] =	stream.indirect.gather @!p0 [hbm4b:s1+s15], $0x80, s11, s15, $0xb8;
	[tilespmem:$0x10400] =	vst v63  }
0x45: {  	s17 =	simm.s32 @!p0 $0x4400  }
0x46: {  	[tilespmem:s17], [sflag:$0x1] =	stream.indirect.gather @!p0 [hbm4b:s1+s15], $0x80, s15, s15, $0xb8;
	[tilespmem:$0x10400] =	vst v63  }
0x47: {  	s14 =	simm.s32 @!p0 $0x100;
	s18 =	simm.s32 @!p0 $0x8400  }
0x48: {  	[tilespmem:s18], [sflag:$0x1] =	stream.indirect.gather @!p0 [hbm4b:s1+s15], $0x80, s14, s15, $0xb8;
	[tilespmem:$0x10400] =	vst v63  }
0x49: {  	s19 =	simm.s32 @!p0 $0x180;
	s20 =	simm.s32 @!p0 $0xC400;
	s14 =	simm.s32 @!p0 $0x1  }
0x4a: {  	[tilespmem:s20], [sflag:$0x1] =	stream.indirect.gather @!p0 [hbm4b:s1+s15], $0x80, s19, s15, $0xb8;
	[tilespmem:$0x10400] =	vst v63  }
0x4b: {  	_ =	swait.ge @!p0 [sflag:s14], $0x4000  }
0x4c: {  	[sflag:s14] =	ssyncset.done @!p0 $0x0  }
0x4d: {  	[sflag:s14] =	ssyncadd.s32 @!p0 $0xFFFFC000  }
0x4e: {  	_ =	swait.ge @!p0 [sflag:s14], $0x4000  }
0x4f: {  	[sflag:s14] =	ssyncset.done @!p0 $0x0  }
0x50: {  	[sflag:s14] =	ssyncadd.s32 @!p0 $0xFFFFC000  }
0x51: {  	_ =	swait.ge @!p0 [sflag:s14], $0x4000  }
0x52: {  	[sflag:s14] =	ssyncset.done @!p0 $0x0  }
0x53: {  	[sflag:s14] =	ssyncadd.s32 @!p0 $0xFFFFC000  }
0x54: {  	_ =	swait.ge @!p0 [sflag:s14], $0x4000  }
0x55: {  	[sflag:s14] =	ssyncset.done @!p0 $0x0  }
0x56: {  	s19 =	sadd.s32 @!p0 $0xFFFFE000, s8;
	[sflag:s14] =	ssyncadd.s32 @!p0 $0xFFFFC000  }
0x57: {  	[hbm4b:s19+s11] =	stream.linear.scatter @!p0 [tilespmem:s13], [sflag:$0x3], $0x10000, $0x38;
	[tilespmem:$0x10400] =	vst v63  }
0x58: {  	_ =	swait.ge @!p0 [sflag:s16], $0x10000  }
0x59: {  	[sflag:s16] =	ssyncset.done @!p0 $0x0  }
0x5a: {  	[sflag:s16] =	ssyncadd.s32 @!p0 $0xFFFF0000;
	s16 =	simm.s32 @!p0 $0x200  }
0x5b: {  	[tilespmem:s13], [sflag:$0x1] =	stream.indirect.gather @!p0 [hbm4b:s1+s15], $0x80, s16, s15, $0xb8;
	[tilespmem:$0x10400] =	vst v63  }
0x5c: {  	s16 =	simm.s32 @!p0 $0x280  }
0x5d: {  	[tilespmem:s17], [sflag:$0x1] =	stream.indirect.gather @!p0 [hbm4b:s1+s15], $0x80, s16, s15, $0xb8;
	[tilespmem:$0x10400] =	vst v63  }
0x5e: {  	s16 =	simm.s32 @!p0 $0x300  }
0x5f: {  	[tilespmem:s18], [sflag:$0x1] =	stream.indirect.gather @!p0 [hbm4b:s1+s15], $0x80, s16, s15, $0xb8;
	[tilespmem:$0x10400] =	vst v63  }
0x60: {  	s16 =	simm.s32 @!p0 $0x380  }
0x61: {  	[tilespmem:s20], [sflag:$0x1] =	stream.indirect.gather @!p0 [hbm4b:s1+s15], $0x80, s16, s15, $0xb8;
	[tilespmem:$0x10400] =	vst v63  }
0x62: {  	_ =	swait.ge @!p0 [sflag:s14], $0x4000  }
0x63: {  	[sflag:s14] =	ssyncset.done @!p0 $0x0  }
0x64: {  	[sflag:s14] =	ssyncadd.s32 @!p0 $0xFFFFC000  }
0x65: {  	_ =	swait.ge @!p0 [sflag:s14], $0x4000  }
0x66: {  	[sflag:s14] =	ssyncset.done @!p0 $0x0  }
0x67: {  	[sflag:s14] =	ssyncadd.s32 @!p0 $0xFFFFC000  }
0x68: {  	_ =	swait.ge @!p0 [sflag:s14], $0x4000  }
0x69: {  	[sflag:s14] =	ssyncset.done @!p0 $0x0  }
0x6a: {  	[sflag:s14] =	ssyncadd.s32 @!p0 $0xFFFFC000  }
0x6b: {  	_ =	swait.ge @!p0 [sflag:s14], $0x4000  }
.Ltmp0:
0x6c: {  	[sflag:s14] =	ssyncset.done @!p0 $0x0;
	(pc) =	sbr.rel @p1 .LBB2_2-.Ltmp0, $4  }
0x6d: {  	[sflag:s14] =	ssyncadd.s32 @!p0 $0xFFFFC000;
	s14 =	simm.s32 @!p0 $0x2  }
0x6e: {  	[hbm4b:s8+s11] =	stream.linear.scatter @!p0 [tilespmem:s13], [sflag:$0x2], $0x10000, $0x38;
	[tilespmem:$0x10400] =	vst v63  }
0x6f: {  	s11 =	sadd.s32 s12, s4;
	s8 =	sadd.s32 $0x80000, s8;
	_ =	swait.ge @!p0 [sflag:s14], $0x10000  }
0x70: {  	s10 =	sadd.s32 $0x1000, s10;
	p2 =	sgt.u32 s11, $0x63;
	[sflag:s14] =	ssyncset.done @!p0 $0x0  }
0x71: {  	s9 =	simm.s32 @!p2 $0x0;
	s11 =	simm.s32 @!p2 $0x3;
	[sflag:s14] =	ssyncadd.s32 @!p0 $0xFFFF0000  }
0x72: {  	[tilespmem:s9], [sflag:$0x3] =	stream.linear.gather @!p2 [hbm4b:s10+s9], $0x400, $0x38;
	[tilespmem:$0x10400] =	vst v63  }
0x73: {  	_ =	swait.ge @!p2 [sflag:s11], $0x400  }
0x74: {  	p0 =	por p2, p2;
	[sflag:s11] =	ssyncset.done @!p2 $0x0  }
0x75: {  	s10 =	simm.s32 @!p0 $0x80;
	s12 =	simm.s32 @!p0 $0x400;
	[sflag:s11] =	ssyncadd.s32 @!p0 $0xFFFFFC00  }
0x76: {  	[tilespmem:s12], [sflag:$0x1] =	stream.indirect.gather @!p0 [hbm4b:s1+s10], $0x80, s9, s10, $0xb8;
	[tilespmem:$0x10400] =	vst v63  }
0x77: {  	s13 =	simm.s32 @!p0 $0x4400  }
0x78: {  	[tilespmem:s13], [sflag:$0x1] =	stream.indirect.gather @!p0 [hbm4b:s1+s10], $0x80, s10, s10, $0xb8;
	[tilespmem:$0x10400] =	vst v63  }
0x79: {  	s14 =	simm.s32 @!p0 $0x100;
	s15 =	simm.s32 @!p0 $0x8400  }
0x7a: {  	[tilespmem:s15], [sflag:$0x1] =	stream.indirect.gather @!p0 [hbm4b:s1+s10], $0x80, s14, s10, $0xb8;
	[tilespmem:$0x10400] =	vst v63  }
0x7b: {  	s16 =	simm.s32 @!p0 $0xC400;
	s17 =	simm.s32 @!p0 $0x1;
	s14 =	simm.s32 @!p0 $0x180  }
0x7c: {  	[tilespmem:s16], [sflag:$0x1] =	stream.indirect.gather @!p0 [hbm4b:s1+s10], $0x80, s14, s10, $0xb8;
	[tilespmem:$0x10400] =	vst v63  }
0x7d: {  	_ =	swait.ge @!p0 [sflag:s17], $0x4000  }
0x7e: {  	[sflag:s17] =	ssyncset.done @!p0 $0x0  }
0x7f: {  	[sflag:s17] =	ssyncadd.s32 @!p0 $0xFFFFC000  }
0x80: {  	_ =	swait.ge @!p0 [sflag:s17], $0x4000  }
0x81: {  	[sflag:s17] =	ssyncset.done @!p0 $0x0  }
0x82: {  	[sflag:s17] =	ssyncadd.s32 @!p0 $0xFFFFC000  }
0x83: {  	_ =	swait.ge @!p0 [sflag:s17], $0x4000  }
0x84: {  	[sflag:s17] =	ssyncset.done @!p0 $0x0  }
0x85: {  	[sflag:s17] =	ssyncadd.s32 @!p0 $0xFFFFC000  }
0x86: {  	_ =	swait.ge @!p0 [sflag:s17], $0x4000  }
0x87: {  	[sflag:s17] =	ssyncset.done @!p0 $0x0  }
0x88: {  	s14 =	sadd.s32 @!p0 $0xFFFFE000, s8;
	[sflag:s17] =	ssyncadd.s32 @!p0 $0xFFFFC000  }
0x89: {  	[hbm4b:s14+s9] =	stream.linear.scatter @!p0 [tilespmem:s12], [sflag:$0x3], $0x10000, $0x38;
	[tilespmem:$0x10400] =	vst v63  }
0x8a: {  	_ =	swait.ge @!p0 [sflag:s11], $0x10000  }
0x8b: {  	[sflag:s11] =	ssyncset.done @!p0 $0x0  }
0x8c: {  	[sflag:s11] =	ssyncadd.s32 @!p0 $0xFFFF0000;
	s11 =	simm.s32 @!p0 $0x200  }
0x8d: {  	[tilespmem:s12], [sflag:$0x1] =	stream.indirect.gather @!p0 [hbm4b:s1+s10], $0x80, s11, s10, $0xb8;
	[tilespmem:$0x10400] =	vst v63  }
0x8e: {  	s11 =	simm.s32 @!p0 $0x280  }
0x8f: {  	[tilespmem:s13], [sflag:$0x1] =	stream.indirect.gather @!p0 [hbm4b:s1+s10], $0x80, s11, s10, $0xb8;
	[tilespmem:$0x10400] =	vst v63  }
0x90: {  	s11 =	simm.s32 @!p0 $0x300  }
0x91: {  	[tilespmem:s15], [sflag:$0x1] =	stream.indirect.gather @!p0 [hbm4b:s1+s10], $0x80, s11, s10, $0xb8;
	[tilespmem:$0x10400] =	vst v63  }
0x92: {  	s11 =	simm.s32 @!p0 $0x380  }
0x93: {  	[tilespmem:s16], [sflag:$0x1] =	stream.indirect.gather @!p0 [hbm4b:s1+s10], $0x80, s11, s10, $0xb8;
	[tilespmem:$0x10400] =	vst v63  }
0x94: {  	_ =	swait.ge @!p0 [sflag:s17], $0x4000  }
0x95: {  	[sflag:s17] =	ssyncset.done @!p0 $0x0  }
0x96: {  	[sflag:s17] =	ssyncadd.s32 @!p0 $0xFFFFC000  }
0x97: {  	_ =	swait.ge @!p0 [sflag:s17], $0x4000  }
0x98: {  	[sflag:s17] =	ssyncset.done @!p0 $0x0  }
0x99: {  	[sflag:s17] =	ssyncadd.s32 @!p0 $0xFFFFC000  }
0x9a: {  	_ =	swait.ge @!p0 [sflag:s17], $0x4000  }
0x9b: {  	[sflag:s17] =	ssyncset.done @!p0 $0x0  }
0x9c: {  	[sflag:s17] =	ssyncadd.s32 @!p0 $0xFFFFC000  }
0x9d: {  	s3 =	sadd.s32 $0x1, s3;
	_ =	swait.ge @!p0 [sflag:s17], $0x4000  }
0x9e: {  	p1 =	sne.s32 s3, s5;
	[sflag:s17] =	ssyncset.done @!p0 $0x0  }
.Ltmp1:
0x9f: {  	s10 =	simm.s32 @!p0 $0x2;
	[sflag:s17] =	ssyncadd.s32 @!p0 $0xFFFFC000;
	(pc) =	sbr.rel @p1 .LBB2_1-.Ltmp1, $4  }
0xa0: {  	[hbm4b:s8+s9] =	stream.linear.scatter @!p0 [tilespmem:s12], [sflag:$0x2], $0x10000, $0x38;
	[tilespmem:$0x10400] =	vst v63  }
0xa1: {  	_ =	swait.ge @!p0 [sflag:s10], $0x10000  }
0xa2: {  	[sflag:s10] =	ssyncset.done @!p0 $0x0  }
0xa3: {  	[sflag:s10] =	ssyncadd.s32 @!p0 $0xFFFF0000  }
0xa4: {  	_ =	sfence.sel $0x180000  }
0xa5: {  	[bflag:$0x0] =	sbarrier.arrive $0xFFFF  }
0xa6: {  	p0 =	sne.s32 s2, $0x0;
	_ =	strace $0x9000004A  }
0xa7: {  	s0 =	sadd.s32 @!p0 $0x100000, s0;
	[bflag:$0x2] =	sbarrier.arrive $0xFFFF  }
0xa8: {  	[sflag:s0] =	ssyncadd.tile.s32 @!p0 $0x1;
	_ =	shalt  }
.Lfunc_end2:
_tile_overlayer_lowered:
.L_overlay_start_2:
0xa9: {  	(tag) =	ssettag $0x2  }
0xaa: {  	s0 =	rddreg [dreg:$0x0];
	s2 =	stileid.u32  }
0xab: {  	s1 =	rddreg [dreg:$0x1];
	p0 =	sne.s32 s2, $0x0  }
0xac: {  	s3 =	rddreg [dreg:$0x2];
	[bflag:$0x3] =	sbarrier.arrive $0xFFFF;
	s2 =	simm.s32 @!p0 $0x1C02  }
0xad: {  	[timem:s3], [sflag:s2] =	dma.local @!p0 [hbm:s0], s1  }
0xae: {  	s0 =	simm.s32 @!p0 $0x2  }
0xaf: {  	_ =	swait.ge @!p0 [sflag:s0], s1  }
0xb0: {  	s1 =	ssub.s32 @!p0 $0x0, s1;
	[sflag:s0] =	ssyncset.done @!p0 $0x0  }
0xb1: {  	[sflag:s0] =	ssyncadd.s32 @!p0 s1  }
0xb2: {  	[bflag:$0x3] =	sbarrier.arrive $0xFFFF  }
0xb3: {  	_ =	shalt  }

</sc_bundles>
